<compile_context>
chip_gen: v7x
topology: tpu7x:2x2x1
jax: 0.10.2.dev20260603
libtpu: 0.0.44.dev20260713+nightly
codegen_flags: <defaults>
</compile_context>

<pallas_src>
import functools

import jax
import jax.numpy as jnp
from jax import lax
from jax.experimental import pallas as pl
from jax.experimental.pallas import tpu as pltpu
from jax.experimental.pallas import tpu_sc as plsc

_EMB = 128
_NC = 2
_NS = 16
_NW = _NC * _NS
_L = 16
_BLK = 128

_CHUNK = 64
_UNROLL = 8


def _vsqrt(x):
    i = plsc.bitcast(x, jnp.int32)
    y = plsc.bitcast(jnp.int32(0x5F3759DF) - (i >> 1), jnp.float32)
    for _ in range(3):
        y = y * (1.5 - 0.5 * x * y * y)
    return x * y


@functools.partial(jax.jit, static_argnums=(2,))
def _sc_forward(idx3, table, batch):
    pairs_per_w = batch // _NW
    blocks_per_w = pairs_per_w // _BLK
    nchunk = pairs_per_w // _CHUNK
    groups = _CHUNK // _L
    mesh = plsc.VectorSubcoreMesh(core_axis_name="c", subcore_axis_name="s")

    def body(idx_hbm, table_hbm, out_hbm, idx_v, bc, bd, out_v,
             sc0, sd0, sc1, sd1):
        wid = lax.axis_index("s") * _NC + lax.axis_index("c")
        pltpu.sync_copy(idx_hbm.at[pl.ds(wid * blocks_per_w, blocks_per_w)],
                        idx_v)

        def start(ch, half):
            blk = ch // 2
            semc, semd = (sc0, sd0) if half == 0 else (sc1, sd1)
            dst = pl.ds(half * _CHUNK, _CHUNK)
            pltpu.async_copy(
                table_hbm.at[idx_v.at[blk, 0, pl.ds(half * _CHUNK, _CHUNK)]],
                bc.at[dst], semc)
            pltpu.async_copy(
                table_hbm.at[idx_v.at[blk, 1, pl.ds(half * _CHUNK, _CHUNK)]],
                bd.at[dst], semd)

        def wait(half):
            semc, semd = (sc0, sd0) if half == 0 else (sc1, sd1)
            dst = pl.ds(half * _CHUNK, _CHUNK)
            pltpu.make_async_copy(
                table_hbm.at[idx_v.at[0, 0, pl.ds(0, _CHUNK)]], bc.at[dst],
                semc).wait()
            pltpu.make_async_copy(
                table_hbm.at[idx_v.at[0, 0, pl.ds(0, _CHUNK)]], bd.at[dst],
                semd).wait()

        def compute(ch, rbase):
            def group_body(g, _):
                lane = lax.iota(jnp.int32, _L)
                r = lane + (rbase + g * _L)
                zero = jnp.zeros((_L,), jnp.float32)

                def dim_body(t, carry, r=r, lane=lane):
                    accs = list(carry)
                    base = t * _UNROLL
                    for u in range(_UNROLL):
                        s = u % 2
                        a1, a2, a3 = accs[3 * s], accs[3 * s + 1], accs[3 * s + 2]
                        kv = lane ^ (base + u)
                        kv2 = kv | _EMB
                        c1 = plsc.load_gather(bc, [r, kv])
                        c2 = plsc.load_gather(bc, [r, kv2])
                        d1 = plsc.load_gather(bd, [r, kv])
                        d2 = plsc.load_gather(bd, [r, kv2])
                        u_ = d1 - c1
                        ru = jnp.maximum(u_, 0.0)
                        a1 = a1 + ru * ru
                        v_ = (c2 - d2) - u_
                        rv = jnp.maximum(v_, 0.0)
                        a2 = a2 + rv * rv
                        a3 = a3 - jnp.minimum(c2, 0.0) - jnp.minimum(d2, 0.0)
                        accs[3 * s], accs[3 * s + 1], accs[3 * s + 2] = a1, a2, a3
                    return tuple(accs)

                accs = lax.fori_loop(0, _EMB // _UNROLL, dim_body, (zero,) * 6)
                a1 = accs[0] + accs[3]
                a2 = accs[1] + accs[4]
                a3 = accs[2] + accs[5]
                res = _vsqrt(a1) + _vsqrt(a2) + a3
                out_v[pl.ds(ch * _CHUNK + g * _L, _L)] = res
                return 0

            lax.fori_loop(0, groups, group_body, 0)

        start(0, 0)
        start(1, 1)

        def outer(ch, _):
            p = ch & 1

            @pl.when(p == 0)
            def _():
                wait(0)

            @pl.when(p == 1)
            def _():
                wait(1)

            compute(ch, p * _CHUNK)

            @pl.when((p == 0) & (ch + 2 < nchunk))
            def _():
                start(ch + 2, 0)

            @pl.when((p == 1) & (ch + 2 < nchunk))
            def _():
                start(ch + 2, 1)

            return 0

        lax.fori_loop(0, nchunk, outer, 0)
        pltpu.sync_copy(out_v, out_hbm.at[pl.ds(wid * pairs_per_w, pairs_per_w)])

    rowbuf = pltpu.VMEM((2 * _CHUNK, 2 * _EMB), jnp.float32)
    call = pl.kernel(
        body,
        out_type=jax.ShapeDtypeStruct((batch,), jnp.float32),
        mesh=mesh,
        scratch_types=[
            pltpu.VMEM((blocks_per_w, 2, _BLK), jnp.int32),
            rowbuf, rowbuf,
            pltpu.VMEM((pairs_per_w,), jnp.float32),
            pltpu.SemaphoreType.DMA,
            pltpu.SemaphoreType.DMA,
            pltpu.SemaphoreType.DMA,
            pltpu.SemaphoreType.DMA,
        ],
        compiler_params=pltpu.CompilerParams(
            use_tc_tiling_on_sc=True, needs_layout_passes=False
        ),
    )
    return call(idx3, table)


def kernel(input, class_emb):
    batch = input.shape[0]
    idx3 = input.reshape(batch // _BLK, _BLK, 2).transpose(0, 2, 1)
    out = _sc_forward(idx3, class_emb, batch)
    return out.reshape(batch, 1)

# --- scband reference (transcript-rebuilt; emitter-appended) ---
"""Pipeline reference for scband-elbox2-ball-model-44633300140740 (READ-ONLY COPY).

The authoritative reference and input builder live on the scoring server;
editing this copy changes nothing except your own understanding.
"""

import jax, jax.numpy as jnp
import numpy as np

CLASS_NUM = 100000
EMB_DIM = 128
BATCH = 16384
MARGIN = 0.0


def setup_inputs(seed: int = 0) -> dict:
    key = jax.random.key(seed)
    k1, k2 = jax.random.split(key)
    inp = jax.random.randint(k1, (BATCH, 2), 0, CLASS_NUM, dtype=jnp.int32)
    # classEmbeddingDict weight: uniform(-1,1) then row-normalized, shape [classNum, 2*embedding_dim]
    table = jax.random.uniform(k2, (CLASS_NUM, 2 * EMB_DIM), minval=-1.0, maxval=1.0, dtype=jnp.float32)
    table = table / jnp.linalg.norm(table, axis=1, keepdims=True)
    return {"input": inp, "class_emb": table}


def reference(input, class_emb):
    # Faithful translation of ELBox2BallModel.nf1Loss (the embedding-lookup loss path)
    c = jnp.take(class_emb, input[:, 0], axis=0)
    d = jnp.take(class_emb, input[:, 1], axis=0)
    c1 = c[:, :EMB_DIM]
    c2 = c[:, EMB_DIM:]
    d1 = d[:, :EMB_DIM]
    d2 = d[:, EMB_DIM:]
    relu = jax.nn.relu
    leftBottomLimit = jnp.reshape(jnp.linalg.norm(relu(d1 - c1 + MARGIN), axis=1), (-1, 1))
    righttopLimit = jnp.reshape(jnp.linalg.norm(relu(c1 + c2 - d2 - d1 + MARGIN), axis=1), (-1, 1))
    shapeLimit = jnp.reshape(jnp.sum(jnp.abs(relu(-c2 + MARGIN)), axis=1), (-1, 1))
    shapeLimit = shapeLimit + jnp.reshape(jnp.sum(jnp.abs(relu(-d2 + MARGIN)), axis=1), (-1, 1))
    return leftBottomLimit + righttopLimit + shapeLimit

if __name__ == "__main__":
    import jax
    _d = setup_inputs()
    print(jax.jit(kernel)(*tuple(_d.values())))

</pallas_src>

<mosaic_0001>
#map = affine_map<(d0, d1) -> (0, 0, 0)>
#map1 = affine_map<(d0, d1) -> (0, 0)>
#map2 = affine_map<(d0, d1) -> (0)>
module attributes {stable_mosaic.version = 14 : i64} {
  func.func @body(%arg0: i32, %arg1: i32, %arg2: memref<128x2x128xi32, #tpu.memory_space<hbm>>, %arg3: memref<100000x256xf32, #tpu.memory_space<hbm>>, %arg4: memref<16384xf32, #tpu.memory_space<hbm>>, %arg5: memref<4x2x128xi32, #tpu.memory_space<vmem>>, %arg6: memref<128x256xf32, #tpu.memory_space<vmem>>, %arg7: memref<128x256xf32, #tpu.memory_space<vmem>>, %arg8: memref<512xf32, #tpu.memory_space<vmem>>, %arg9: memref<!tpu.dma_semaphore, #tpu.memory_space<semaphore_mem>>, %arg10: memref<!tpu.dma_semaphore, #tpu.memory_space<semaphore_mem>>, %arg11: memref<!tpu.dma_semaphore, #tpu.memory_space<semaphore_mem>>, %arg12: memref<!tpu.dma_semaphore, #tpu.memory_space<semaphore_mem>>) attributes {dimension_semantics = [#tpu.dimension_semantics<core_parallel>, #tpu.dimension_semantics<subcore_parallel>], iteration_bounds = array<i64: 2, 16>, scalar_prefetch = 0 : i64, scratch_operands = 8 : i64, tpu.core_type = #tpu.core_type<sc_vector_subcore>, window_params = [{transform_indices = #map}, {transform_indices = #map1}, {transform_indices = #map2}]} {
    %mul3A = arith.constant 2 : i32
    %mul3A_0 = arith.muli %arg1, %mul3A : i32
    %add3A = arith.addi %mul3A_0, %arg0 : i32
    %mul3A_1 = arith.constant 4 : i32
    %mul3A_2 = arith.muli %add3A, %mul3A_1 : i32
    "tpu.region"() ({
      %run_scoped3A = tpu.sem_alloc : memref<!tpu.dma_semaphore, #tpu.memory_space<semaphore_mem>>
      %dma_start3A_54 = arith.constant 0 : i32
      %dma_start3A_55 = arith.constant 0 : i32
      %dma_start3A_56 = tpu.memref_slice %arg2[%mul3A_2, %dma_start3A_54, %dma_start3A_55] : memref<128x2x128xi32, #tpu.memory_space<hbm>> -> memref<4x2x128xi32, #tpu.memory_space<hbm>>
      %dma_start3A_57 = arith.constant 0 : i32
      %dma_start3A_58 = arith.constant 0 : i32
      %dma_start3A_59 = tpu.memref_slice %arg2[%mul3A_2, %dma_start3A_57, %dma_start3A_58] : memref<128x2x128xi32, #tpu.memory_space<hbm>> -> memref<4x2x128xi32, #tpu.memory_space<hbm>>
      tpu.enqueue_dma source(%dma_start3A_59 : memref<4x2x128xi32, #tpu.memory_space<hbm>>) target(%arg5 : memref<4x2x128xi32, #tpu.memory_space<vmem>>) target_semaphore(%run_scoped3A : memref<!tpu.dma_semaphore, #tpu.memory_space<semaphore_mem>>)
      %dma_wait3A = arith.constant 0 : i32
      %dma_wait3A_60 = arith.constant 0 : i32
      %dma_wait3A_61 = tpu.memref_slice %arg2[%mul3A_2, %dma_wait3A, %dma_wait3A_60] : memref<128x2x128xi32, #tpu.memory_space<hbm>> -> memref<4x2x128xi32, #tpu.memory_space<hbm>>
      %dma_wait3A_62 = arith.constant 0 : i32
      %dma_wait3A_63 = arith.constant 0 : i32
      %dma_wait3A_64 = tpu.memref_slice %arg2[%mul3A_2, %dma_wait3A_62, %dma_wait3A_63] : memref<128x2x128xi32, #tpu.memory_space<hbm>> -> memref<4x2x128xi32, #tpu.memory_space<hbm>>
      tpu.wait_dma2 semaphore(%run_scoped3A : memref<!tpu.dma_semaphore, #tpu.memory_space<semaphore_mem>>) src(%dma_wait3A_64 : memref<4x2x128xi32, #tpu.memory_space<hbm>>) dst(%arg5 : memref<4x2x128xi32, #tpu.memory_space<vmem>>)
      tpu.yield
    }) : () -> ()
    %dma_start3A = arith.constant 0 : i32
    %dma_start3A_3 = arith.constant 0 : i32
    %dma_start3A_4 = arith.constant 0 : i32
    %dma_start3A_5 = arith.constant 0 : i32
    %dma_start3A_6 = tpu.memref_slice %arg6[%dma_start3A_4, %dma_start3A_5] : memref<128x256xf32, #tpu.memory_space<vmem>> -> memref<64x256xf32, #tpu.memory_space<vmem>>
    %dma_start3A_7 = arith.constant 0 : i32
    %dma_start3A_8 = tpu.memref_slice %arg5[%dma_start3A, %dma_start3A_3, %dma_start3A_7] : memref<4x2x128xi32, #tpu.memory_space<vmem>> -> memref<1x1x64xi32, #tpu.memory_space<vmem>>
    %dma_start3A_9 = tpu.memref_squeeze %dma_start3A_8 : memref<1x1x64xi32, #tpu.memory_space<vmem>> -> memref<64xi32, #tpu.memory_space<vmem>>
    %dma_start3A_10 = arith.constant 0 : i32
    %dma_start3A_11 = arith.constant 0 : i32
    %dma_start3A_12 = tpu.memref_slice %arg3[%dma_start3A_10, %dma_start3A_11] : memref<100000x256xf32, #tpu.memory_space<hbm>> -> memref<100000x256xf32, #tpu.memory_space<hbm>>
    tpu.enqueue_indirect_dma source(%dma_start3A_12 : memref<100000x256xf32, #tpu.memory_space<hbm>>) target(%dma_start3A_6 : memref<64x256xf32, #tpu.memory_space<vmem>>) offsets(%dma_start3A_9 : memref<64xi32, #tpu.memory_space<vmem>>) semaphore(%arg9 : memref<!tpu.dma_semaphore, #tpu.memory_space<semaphore_mem>>)
    %dma_start3A_13 = arith.constant 0 : i32
    %dma_start3A_14 = arith.constant 1 : i32
    %dma_start3A_15 = arith.constant 0 : i32
    %dma_start3A_16 = arith.constant 0 : i32
    %dma_start3A_17 = tpu.memref_slice %arg7[%dma_start3A_15, %dma_start3A_16] : memref<128x256xf32, #tpu.memory_space<vmem>> -> memref<64x256xf32, #tpu.memory_space<vmem>>
    %dma_start3A_18 = arith.constant 0 : i32
    %dma_start3A_19 = tpu.memref_slice %arg5[%dma_start3A_13, %dma_start3A_14, %dma_start3A_18] : memref<4x2x128xi32, #tpu.memory_space<vmem>> -> memref<1x1x64xi32, #tpu.memory_space<vmem>>
    %dma_start3A_20 = tpu.memref_squeeze %dma_start3A_19 : memref<1x1x64xi32, #tpu.memory_space<vmem>> -> memref<64xi32, #tpu.memory_space<vmem>>
    %dma_start3A_21 = arith.constant 0 : i32
    %dma_start3A_22 = arith.constant 0 : i32
    %dma_start3A_23 = tpu.memref_slice %arg3[%dma_start3A_21, %dma_start3A_22] : memref<100000x256xf32, #tpu.memory_space<hbm>> -> memref<100000x256xf32, #tpu.memory_space<hbm>>
    tpu.enqueue_indirect_dma source(%dma_start3A_23 : memref<100000x256xf32, #tpu.memory_space<hbm>>) target(%dma_start3A_17 : memref<64x256xf32, #tpu.memory_space<vmem>>) offsets(%dma_start3A_20 : memref<64xi32, #tpu.memory_space<vmem>>) semaphore(%arg10 : memref<!tpu.dma_semaphore, #tpu.memory_space<semaphore_mem>>)
    %dma_start3A_24 = arith.constant 0 : i32
    %dma_start3A_25 = arith.constant 0 : i32
    %dma_start3A_26 = arith.constant 64 : i32
    %dma_start3A_27 = arith.constant 0 : i32
    %dma_start3A_28 = tpu.memref_slice %arg6[%dma_start3A_26, %dma_start3A_27] : memref<128x256xf32, #tpu.memory_space<vmem>> -> memref<64x256xf32, #tpu.memory_space<vmem>>
    %dma_start3A_29 = arith.constant 64 : i32
    %dma_start3A_30 = tpu.memref_slice %arg5[%dma_start3A_24, %dma_start3A_25, %dma_start3A_29] : memref<4x2x128xi32, #tpu.memory_space<vmem>> -> memref<1x1x64xi32, #tpu.memory_space<vmem>>
    %dma_start3A_31 = tpu.memref_squeeze %dma_start3A_30 : memref<1x1x64xi32, #tpu.memory_space<vmem>> -> memref<64xi32, #tpu.memory_space<vmem>>
    %dma_start3A_32 = arith.constant 0 : i32
    %dma_start3A_33 = arith.constant 0 : i32
    %dma_start3A_34 = tpu.memref_slice %arg3[%dma_start3A_32, %dma_start3A_33] : memref<100000x256xf32, #tpu.memory_space<hbm>> -> memref<100000x256xf32, #tpu.memory_space<hbm>>
    tpu.enqueue_indirect_dma source(%dma_start3A_34 : memref<100000x256xf32, #tpu.memory_space<hbm>>) target(%dma_start3A_28 : memref<64x256xf32, #tpu.memory_space<vmem>>) offsets(%dma_start3A_31 : memref<64xi32, #tpu.memory_space<vmem>>) semaphore(%arg11 : memref<!tpu.dma_semaphore, #tpu.memory_space<semaphore_mem>>)
    %dma_start3A_35 = arith.constant 0 : i32
    %dma_start3A_36 = arith.constant 1 : i32
    %dma_start3A_37 = arith.constant 64 : i32
    %dma_start3A_38 = arith.constant 0 : i32
    %dma_start3A_39 = tpu.memref_slice %arg7[%dma_start3A_37, %dma_start3A_38] : memref<128x256xf32, #tpu.memory_space<vmem>> -> memref<64x256xf32, #tpu.memory_space<vmem>>
    %dma_start3A_40 = arith.constant 64 : i32
    %dma_start3A_41 = tpu.memref_slice %arg5[%dma_start3A_35, %dma_start3A_36, %dma_start3A_40] : memref<4x2x128xi32, #tpu.memory_space<vmem>> -> memref<1x1x64xi32, #tpu.memory_space<vmem>>
    %dma_start3A_42 = tpu.memref_squeeze %dma_start3A_41 : memref<1x1x64xi32, #tpu.memory_space<vmem>> -> memref<64xi32, #tpu.memory_space<vmem>>
    %dma_start3A_43 = arith.constant 0 : i32
    %dma_start3A_44 = arith.constant 0 : i32
    %dma_start3A_45 = tpu.memref_slice %arg3[%dma_start3A_43, %dma_start3A_44] : memref<100000x256xf32, #tpu.memory_space<hbm>> -> memref<100000x256xf32, #tpu.memory_space<hbm>>
    tpu.enqueue_indirect_dma source(%dma_start3A_45 : memref<100000x256xf32, #tpu.memory_space<hbm>>) target(%dma_start3A_39 : memref<64x256xf32, #tpu.memory_space<vmem>>) offsets(%dma_start3A_42 : memref<64xi32, #tpu.memory_space<vmem>>) semaphore(%arg12 : memref<!tpu.dma_semaphore, #tpu.memory_space<semaphore_mem>>)
    %scan3A = arith.constant 0 : i32
    %scan3A_46 = arith.constant 0 : i32
    %scan3A_47 = arith.constant 8 : i32
    %scan3A_48 = arith.addi %scan3A_46, %scan3A_47 : i32
    %scan3A_49 = arith.constant 1 : i32
    %scan3A_50 = scf.for %scan3A_54 = %scan3A_46 to %scan3A_48 step %scan3A_49 iter_args(%scan3A_55 = %scan3A) -> (i32)  : i32 {
      %and3A = arith.constant 1 : i32
      %and3A_56 = arith.andi %scan3A_54, %and3A : i32
      %eq3A = arith.constant 0 : i32
      %eq3A_57 = arith.cmpi eq, %and3A_56, %eq3A : i32
      %convert_element_type3A = arith.extui %eq3A_57 : i1 to i32
      %cond3A = arith.constant 0 : i32
      %cond3A_58 = arith.cmpi ne, %convert_element_type3A, %cond3A : i32
      scf.if %cond3A_58 {
        %dma_wait3A = arith.constant 0 : i32
        %dma_wait3A_93 = arith.constant 0 : i32
        %dma_wait3A_94 = arith.constant 0 : i32
        %dma_wait3A_95 = arith.constant 0 : i32
        %dma_wait3A_96 = tpu.memref_slice %arg6[%dma_wait3A_94, %dma_wait3A_95] : memref<128x256xf32, #tpu.memory_space<vmem>> -> memref<64x256xf32, #tpu.memory_space<vmem>>
        %dma_wait3A_97 = arith.constant 0 : i32
        %dma_wait3A_98 = tpu.memref_slice %arg5[%dma_wait3A, %dma_wait3A_93, %dma_wait3A_97] : memref<4x2x128xi32, #tpu.memory_space<vmem>> -> memref<1x1x64xi32, #tpu.memory_space<vmem>>
        %dma_wait3A_99 = tpu.memref_squeeze %dma_wait3A_98 : memref<1x1x64xi32, #tpu.memory_space<vmem>> -> memref<64xi32, #tpu.memory_space<vmem>>
        %dma_wait3A_100 = arith.constant 0 : i32
        %dma_wait3A_101 = arith.constant 0 : i32
        %dma_wait3A_102 = tpu.memref_slice %arg3[%dma_wait3A_100, %dma_wait3A_101] : memref<100000x256xf32, #tpu.memory_space<hbm>> -> memref<100000x256xf32, #tpu.memory_space<hbm>>
        tpu.wait_indirect_dma semaphore(%arg9 : memref<!tpu.dma_semaphore, #tpu.memory_space<semaphore_mem>>) src(%dma_wait3A_102 : memref<100000x256xf32, #tpu.memory_space<hbm>>) dst(%dma_wait3A_96 : memref<64x256xf32, #tpu.memory_space<vmem>>)
        %dma_wait3A_103 = arith.constant 0 : i32
        %dma_wait3A_104 = arith.constant 0 : i32
        %dma_wait3A_105 = arith.constant 0 : i32
        %dma_wait3A_106 = arith.constant 0 : i32
        %dma_wait3A_107 = tpu.memref_slice %arg7[%dma_wait3A_105, %dma_wait3A_106] : memref<128x256xf32, #tpu.memory_space<vmem>> -> memref<64x256xf32, #tpu.memory_space<vmem>>
        %dma_wait3A_108 = arith.constant 0 : i32
        %dma_wait3A_109 = tpu.memref_slice %arg5[%dma_wait3A_103, %dma_wait3A_104, %dma_wait3A_108] : memref<4x2x128xi32, #tpu.memory_space<vmem>> -> memref<1x1x64xi32, #tpu.memory_space<vmem>>
        %dma_wait3A_110 = tpu.memref_squeeze %dma_wait3A_109 : memref<1x1x64xi32, #tpu.memory_space<vmem>> -> memref<64xi32, #tpu.memory_space<vmem>>
        %dma_wait3A_111 = arith.constant 0 : i32
        %dma_wait3A_112 = arith.constant 0 : i32
        %dma_wait3A_113 = tpu.memref_slice %arg3[%dma_wait3A_111, %dma_wait3A_112] : memref<100000x256xf32, #tpu.memory_space<hbm>> -> memref<100000x256xf32, #tpu.memory_space<hbm>>
        tpu.wait_indirect_dma semaphore(%arg10 : memref<!tpu.dma_semaphore, #tpu.memory_space<semaphore_mem>>) src(%dma_wait3A_113 : memref<100000x256xf32, #tpu.memory_space<hbm>>) dst(%dma_wait3A_107 : memref<64x256xf32, #tpu.memory_space<vmem>>)
      } else {
      }
      %eq3A_59 = arith.constant 1 : i32
      %eq3A_60 = arith.cmpi eq, %and3A_56, %eq3A_59 : i32
      %convert_element_type3A_61 = arith.extui %eq3A_60 : i1 to i32
      %cond3A_62 = arith.constant 0 : i32
      %cond3A_63 = arith.cmpi ne, %convert_element_type3A_61, %cond3A_62 : i32
      scf.if %cond3A_63 {
        %dma_wait3A = arith.constant 0 : i32
        %dma_wait3A_93 = arith.constant 0 : i32
        %dma_wait3A_94 = arith.constant 64 : i32
        %dma_wait3A_95 = arith.constant 0 : i32
        %dma_wait3A_96 = tpu.memref_slice %arg6[%dma_wait3A_94, %dma_wait3A_95] : memref<128x256xf32, #tpu.memory_space<vmem>> -> memref<64x256xf32, #tpu.memory_space<vmem>>
        %dma_wait3A_97 = arith.constant 0 : i32
        %dma_wait3A_98 = tpu.memref_slice %arg5[%dma_wait3A, %dma_wait3A_93, %dma_wait3A_97] : memref<4x2x128xi32, #tpu.memory_space<vmem>> -> memref<1x1x64xi32, #tpu.memory_space<vmem>>
        %dma_wait3A_99 = tpu.memref_squeeze %dma_wait3A_98 : memref<1x1x64xi32, #tpu.memory_space<vmem>> -> memref<64xi32, #tpu.memory_space<vmem>>
        %dma_wait3A_100 = arith.constant 0 : i32
        %dma_wait3A_101 = arith.constant 0 : i32
        %dma_wait3A_102 = tpu.memref_slice %arg3[%dma_wait3A_100, %dma_wait3A_101] : memref<100000x256xf32, #tpu.memory_space<hbm>> -> memref<100000x256xf32, #tpu.memory_space<hbm>>
        tpu.wait_indirect_dma semaphore(%arg11 : memref<!tpu.dma_semaphore, #tpu.memory_space<semaphore_mem>>) src(%dma_wait3A_102 : memref<100000x256xf32, #tpu.memory_space<hbm>>) dst(%dma_wait3A_96 : memref<64x256xf32, #tpu.memory_space<vmem>>)
        %dma_wait3A_103 = arith.constant 0 : i32
        %dma_wait3A_104 = arith.constant 0 : i32
        %dma_wait3A_105 = arith.constant 64 : i32
        %dma_wait3A_106 = arith.constant 0 : i32
        %dma_wait3A_107 = tpu.memref_slice %arg7[%dma_wait3A_105, %dma_wait3A_106] : memref<128x256xf32, #tpu.memory_space<vmem>> -> memref<64x256xf32, #tpu.memory_space<vmem>>
        %dma_wait3A_108 = arith.constant 0 : i32
        %dma_wait3A_109 = tpu.memref_slice %arg5[%dma_wait3A_103, %dma_wait3A_104, %dma_wait3A_108] : memref<4x2x128xi32, #tpu.memory_space<vmem>> -> memref<1x1x64xi32, #tpu.memory_space<vmem>>
        %dma_wait3A_110 = tpu.memref_squeeze %dma_wait3A_109 : memref<1x1x64xi32, #tpu.memory_space<vmem>> -> memref<64xi32, #tpu.memory_space<vmem>>
        %dma_wait3A_111 = arith.constant 0 : i32
        %dma_wait3A_112 = arith.constant 0 : i32
        %dma_wait3A_113 = tpu.memref_slice %arg3[%dma_wait3A_111, %dma_wait3A_112] : memref<100000x256xf32, #tpu.memory_space<hbm>> -> memref<100000x256xf32, #tpu.memory_space<hbm>>
        tpu.wait_indirect_dma semaphore(%arg12 : memref<!tpu.dma_semaphore, #tpu.memory_space<semaphore_mem>>) src(%dma_wait3A_113 : memref<100000x256xf32, #tpu.memory_space<hbm>>) dst(%dma_wait3A_107 : memref<64x256xf32, #tpu.memory_space<vmem>>)
      } else {
      }
      %mul3A_64 = arith.constant 64 : i32
      %mul3A_65 = arith.muli %and3A_56, %mul3A_64 : i32
      %scan3A_66 = arith.constant 0 : i32
      %scan3A_67 = arith.constant 0 : i32
      %scan3A_68 = arith.constant 4 : i32
      %scan3A_69 = arith.addi %scan3A_67, %scan3A_68 : i32
      %scan3A_70 = arith.constant 1 : i32
      %scan3A_71 = scf.for %scan3A_93 = %scan3A_67 to %scan3A_69 step %scan3A_70 iter_args(%scan3A_94 = %scan3A_66) -> (i32)  : i32 {
        %iota3A = tpu.iota {dimensions = array<i32: 0>} : vector<16xi32>
        %mul3A_95 = arith.constant 16 : i32
        %mul3A_96 = arith.muli %scan3A_93, %mul3A_95 : i32
        %add3A_97 = arith.addi %mul3A_65, %mul3A_96 : i32
        %add3A_98 = vector.broadcast %add3A_97 : i32 to vector<16xi32>
        %add3A_99 = arith.addi %iota3A, %add3A_98 : vector<16xi32>
        %broadcast_in_dim3A = arith.constant 0.000000e+00 : f32
        %broadcast_in_dim3A_100 = vector.broadcast %broadcast_in_dim3A : f32 to vector<16xf32>
        %scan3A_101 = arith.constant 0 : i32
        %scan3A_102 = arith.constant 16 : i32
        %scan3A_103 = arith.addi %scan3A_101, %scan3A_102 : i32
        %scan3A_104 = arith.constant 1 : i32
        %scan3A_105:6 = scf.for %scan3A_188 = %scan3A_101 to %scan3A_103 step %scan3A_104 iter_args(%scan3A_189 = %broadcast_in_dim3A_100, %scan3A_190 = %broadcast_in_dim3A_100, %scan3A_191 = %broadcast_in_dim3A_100, %scan3A_192 = %broadcast_in_dim3A_100, %scan3A_193 = %broadcast_in_dim3A_100, %scan3A_194 = %broadcast_in_dim3A_100) -> (vector<16xf32>, vector<16xf32>, vector<16xf32>, vector<16xf32>, vector<16xf32>, vector<16xf32>)  : i32 {
          %mul3A_195 = arith.constant 8 : i32
          %mul3A_196 = arith.muli %scan3A_188, %mul3A_195 : i32
          %add3A_197 = arith.constant 0 : i32
          %add3A_198 = arith.addi %mul3A_196, %add3A_197 : i32
          %xor3A = vector.broadcast %add3A_198 : i32 to vector<16xi32>
          %xor3A_199 = arith.xori %iota3A, %xor3A : vector<16xi32>
          %or3A = arith.constant 128 : i32
          %or3A_200 = vector.broadcast %or3A : i32 to vector<16xi32>
          %or3A_201 = arith.ori %xor3A_199, %or3A_200 : vector<16xi32>
          %gather3A = tpu.vector_load_idx %arg6[%add3A_99, %xor3A_199] : memref<128x256xf32, #tpu.memory_space<vmem>>[vector<16xi32>, vector<16xi32>], vector<16xf32>,
          %gather3A_202 = tpu.vector_load_idx %arg6[%add3A_99, %or3A_201] : memref<128x256xf32, #tpu.memory_space<vmem>>[vector<16xi32>, vector<16xi32>], vector<16xf32>,
          %gather3A_203 = tpu.vector_load_idx %arg7[%add3A_99, %xor3A_199] : memref<128x256xf32, #tpu.memory_space<vmem>>[vector<16xi32>, vector<16xi32>], vector<16xf32>,
          %gather3A_204 = tpu.vector_load_idx %arg7[%add3A_99, %or3A_201] : memref<128x256xf32, #tpu.memory_space<vmem>>[vector<16xi32>, vector<16xi32>], vector<16xf32>,
          %sub3A_205 = arith.subf %gather3A_203, %gather3A : vector<16xf32>
          %max3A = arith.constant 0.000000e+00 : f32
          %max3A_206 = vector.broadcast %max3A : f32 to vector<16xf32>
          %max3A_207 = arith.maximumf %sub3A_205, %max3A_206 : vector<16xf32>
          %mul3A_208 = arith.mulf %max3A_207, %max3A_207 : vector<16xf32>
          %add3A_209 = arith.addf %scan3A_189, %mul3A_208 : vector<16xf32>
          %sub3A_210 = arith.subf %gather3A_202, %gather3A_204 : vector<16xf32>
          %sub3A_211 = arith.subf %sub3A_210, %sub3A_205 : vector<16xf32>
          %max3A_212 = arith.constant 0.000000e+00 : f32
          %max3A_213 = vector.broadcast %max3A_212 : f32 to vector<16xf32>
          %max3A_214 = arith.maximumf %sub3A_211, %max3A_213 : vector<16xf32>
          %mul3A_215 = arith.mulf %max3A_214, %max3A_214 : vector<16xf32>
          %add3A_216 = arith.addf %scan3A_190, %mul3A_215 : vector<16xf32>
          %min3A = arith.constant 0.000000e+00 : f32
          %min3A_217 = vector.broadcast %min3A : f32 to vector<16xf32>
          %min3A_218 = arith.minimumf %gather3A_202, %min3A_217 : vector<16xf32>
          %sub3A_219 = arith.subf %scan3A_191, %min3A_218 : vector<16xf32>
          %min3A_220 = arith.constant 0.000000e+00 : f32
          %min3A_221 = vector.broadcast %min3A_220 : f32 to vector<16xf32>
          %min3A_222 = arith.minimumf %gather3A_204, %min3A_221 : vector<16xf32>
          %sub3A_223 = arith.subf %sub3A_219, %min3A_222 : vector<16xf32>
          %add3A_224 = arith.constant 1 : i32
          %add3A_225 = arith.addi %mul3A_196, %add3A_224 : i32
          %xor3A_226 = vector.broadcast %add3A_225 : i32 to vector<16xi32>
          %xor3A_227 = arith.xori %iota3A, %xor3A_226 : vector<16xi32>
          %or3A_228 = arith.constant 128 : i32
          %or3A_229 = vector.broadcast %or3A_228 : i32 to vector<16xi32>
          %or3A_230 = arith.ori %xor3A_227, %or3A_229 : vector<16xi32>
          %gather3A_231 = tpu.vector_load_idx %arg6[%add3A_99, %xor3A_227] : memref<128x256xf32, #tpu.memory_space<vmem>>[vector<16xi32>, vector<16xi32>], vector<16xf32>,
          %gather3A_232 = tpu.vector_load_idx %arg6[%add3A_99, %or3A_230] : memref<128x256xf32, #tpu.memory_space<vmem>>[vector<16xi32>, vector<16xi32>], vector<16xf32>,
          %gather3A_233 = tpu.vector_load_idx %arg7[%add3A_99, %xor3A_227] : memref<128x256xf32, #tpu.memory_space<vmem>>[vector<16xi32>, vector<16xi32>], vector<16xf32>,
          %gather3A_234 = tpu.vector_load_idx %arg7[%add3A_99, %or3A_230] : memref<128x256xf32, #tpu.memory_space<vmem>>[vector<16xi32>, vector<16xi32>], vector<16xf32>,
          %sub3A_235 = arith.subf %gather3A_233, %gather3A_231 : vector<16xf32>
          %max3A_236 = arith.constant 0.000000e+00 : f32
          %max3A_237 = vector.broadcast %max3A_236 : f32 to vector<16xf32>
          %max3A_238 = arith.maximumf %sub3A_235, %max3A_237 : vector<16xf32>
          %mul3A_239 = arith.mulf %max3A_238, %max3A_238 : vector<16xf32>
          %add3A_240 = arith.addf %scan3A_192, %mul3A_239 : vector<16xf32>
          %sub3A_241 = arith.subf %gather3A_232, %gather3A_234 : vector<16xf32>
          %sub3A_242 = arith.subf %sub3A_241, %sub3A_235 : vector<16xf32>
          %max3A_243 = arith.constant 0.000000e+00 : f32
          %max3A_244 = vector.broadcast %max3A_243 : f32 to vector<16xf32>
          %max3A_245 = arith.maximumf %sub3A_242, %max3A_244 : vector<16xf32>
          %mul3A_246 = arith.mulf %max3A_245, %max3A_245 : vector<16xf32>
          %add3A_247 = arith.addf %scan3A_193, %mul3A_246 : vector<16xf32>
          %min3A_248 = arith.constant 0.000000e+00 : f32
          %min3A_249 = vector.broadcast %min3A_248 : f32 to vector<16xf32>
          %min3A_250 = arith.minimumf %gather3A_232, %min3A_249 : vector<16xf32>
          %sub3A_251 = arith.subf %scan3A_194, %min3A_250 : vector<16xf32>
          %min3A_252 = arith.constant 0.000000e+00 : f32
          %min3A_253 = vector.broadcast %min3A_252 : f32 to vector<16xf32>
          %min3A_254 = arith.minimumf %gather3A_234, %min3A_253 : vector<16xf32>
          %sub3A_255 = arith.subf %sub3A_251, %min3A_254 : vector<16xf32>
          %add3A_256 = arith.constant 2 : i32
          %add3A_257 = arith.addi %mul3A_196, %add3A_256 : i32
          %xor3A_258 = vector.broadcast %add3A_257 : i32 to vector<16xi32>
          %xor3A_259 = arith.xori %iota3A, %xor3A_258 : vector<16xi32>
          %or3A_260 = arith.constant 128 : i32
          %or3A_261 = vector.broadcast %or3A_260 : i32 to vector<16xi32>
          %or3A_262 = arith.ori %xor3A_259, %or3A_261 : vector<16xi32>
          %gather3A_263 = tpu.vector_load_idx %arg6[%add3A_99, %xor3A_259] : memref<128x256xf32, #tpu.memory_space<vmem>>[vector<16xi32>, vector<16xi32>], vector<16xf32>,
          %gather3A_264 = tpu.vector_load_idx %arg6[%add3A_99, %or3A_262] : memref<128x256xf32, #tpu.memory_space<vmem>>[vector<16xi32>, vector<16xi32>], vector<16xf32>,
          %gather3A_265 = tpu.vector_load_idx %arg7[%add3A_99, %xor3A_259] : memref<128x256xf32, #tpu.memory_space<vmem>>[vector<16xi32>, vector<16xi32>], vector<16xf32>,
          %gather3A_266 = tpu.vector_load_idx %arg7[%add3A_99, %or3A_262] : memref<128x256xf32, #tpu.memory_space<vmem>>[vector<16xi32>, vector<16xi32>], vector<16xf32>,
          %sub3A_267 = arith.subf %gather3A_265, %gather3A_263 : vector<16xf32>
          %max3A_268 = arith.constant 0.000000e+00 : f32
          %max3A_269 = vector.broadcast %max3A_268 : f32 to vector<16xf32>
          %max3A_270 = arith.maximumf %sub3A_267, %max3A_269 : vector<16xf32>
          %mul3A_271 = arith.mulf %max3A_270, %max3A_270 : vector<16xf32>
          %add3A_272 = arith.addf %add3A_209, %mul3A_271 : vector<16xf32>
          %sub3A_273 = arith.subf %gather3A_264, %gather3A_266 : vector<16xf32>
          %sub3A_274 = arith.subf %sub3A_273, %sub3A_267 : vector<16xf32>
          %max3A_275 = arith.constant 0.000000e+00 : f32
          %max3A_276 = vector.broadcast %max3A_275 : f32 to vector<16xf32>
          %max3A_277 = arith.maximumf %sub3A_274, %max3A_276 : vector<16xf32>
          %mul3A_278 = arith.mulf %max3A_277, %max3A_277 : vector<16xf32>
          %add3A_279 = arith.addf %add3A_216, %mul3A_278 : vector<16xf32>
          %min3A_280 = arith.constant 0.000000e+00 : f32
          %min3A_281 = vector.broadcast %min3A_280 : f32 to vector<16xf32>
          %min3A_282 = arith.minimumf %gather3A_264, %min3A_281 : vector<16xf32>
          %sub3A_283 = arith.subf %sub3A_223, %min3A_282 : vector<16xf32>
          %min3A_284 = arith.constant 0.000000e+00 : f32
          %min3A_285 = vector.broadcast %min3A_284 : f32 to vector<16xf32>
          %min3A_286 = arith.minimumf %gather3A_266, %min3A_285 : vector<16xf32>
          %sub3A_287 = arith.subf %sub3A_283, %min3A_286 : vector<16xf32>
          %add3A_288 = arith.constant 3 : i32
          %add3A_289 = arith.addi %mul3A_196, %add3A_288 : i32
          %xor3A_290 = vector.broadcast %add3A_289 : i32 to vector<16xi32>
          %xor3A_291 = arith.xori %iota3A, %xor3A_290 : vector<16xi32>
          %or3A_292 = arith.constant 128 : i32
          %or3A_293 = vector.broadcast %or3A_292 : i32 to vector<16xi32>
          %or3A_294 = arith.ori %xor3A_291, %or3A_293 : vector<16xi32>
          %gather3A_295 = tpu.vector_load_idx %arg6[%add3A_99, %xor3A_291] : memref<128x256xf32, #tpu.memory_space<vmem>>[vector<16xi32>, vector<16xi32>], vector<16xf32>,
          %gather3A_296 = tpu.vector_load_idx %arg6[%add3A_99, %or3A_294] : memref<128x256xf32, #tpu.memory_space<vmem>>[vector<16xi32>, vector<16xi32>], vector<16xf32>,
          %gather3A_297 = tpu.vector_load_idx %arg7[%add3A_99, %xor3A_291] : memref<128x256xf32, #tpu.memory_space<vmem>>[vector<16xi32>, vector<16xi32>], vector<16xf32>,
          %gather3A_298 = tpu.vector_load_idx %arg7[%add3A_99, %or3A_294] : memref<128x256xf32, #tpu.memory_space<vmem>>[vector<16xi32>, vector<16xi32>], vector<16xf32>,
          %sub3A_299 = arith.subf %gather3A_297, %gather3A_295 : vector<16xf32>
          %max3A_300 = arith.constant 0.000000e+00 : f32
          %max3A_301 = vector.broadcast %max3A_300 : f32 to vector<16xf32>
          %max3A_302 = arith.maximumf %sub3A_299, %max3A_301 : vector<16xf32>
          %mul3A_303 = arith.mulf %max3A_302, %max3A_302 : vector<16xf32>
          %add3A_304 = arith.addf %add3A_240, %mul3A_303 : vector<16xf32>
          %sub3A_305 = arith.subf %gather3A_296, %gather3A_298 : vector<16xf32>
          %sub3A_306 = arith.subf %sub3A_305, %sub3A_299 : vector<16xf32>
          %max3A_307 = arith.constant 0.000000e+00 : f32
          %max3A_308 = vector.broadcast %max3A_307 : f32 to vector<16xf32>
          %max3A_309 = arith.maximumf %sub3A_306, %max3A_308 : vector<16xf32>
          %mul3A_310 = arith.mulf %max3A_309, %max3A_309 : vector<16xf32>
          %add3A_311 = arith.addf %add3A_247, %mul3A_310 : vector<16xf32>
          %min3A_312 = arith.constant 0.000000e+00 : f32
          %min3A_313 = vector.broadcast %min3A_312 : f32 to vector<16xf32>
          %min3A_314 = arith.minimumf %gather3A_296, %min3A_313 : vector<16xf32>
          %sub3A_315 = arith.subf %sub3A_255, %min3A_314 : vector<16xf32>
          %min3A_316 = arith.constant 0.000000e+00 : f32
          %min3A_317 = vector.broadcast %min3A_316 : f32 to vector<16xf32>
          %min3A_318 = arith.minimumf %gather3A_298, %min3A_317 : vector<16xf32>
          %sub3A_319 = arith.subf %sub3A_315, %min3A_318 : vector<16xf32>
          %add3A_320 = arith.constant 4 : i32
          %add3A_321 = arith.addi %mul3A_196, %add3A_320 : i32
          %xor3A_322 = vector.broadcast %add3A_321 : i32 to vector<16xi32>
          %xor3A_323 = arith.xori %iota3A, %xor3A_322 : vector<16xi32>
          %or3A_324 = arith.constant 128 : i32
          %or3A_325 = vector.broadcast %or3A_324 : i32 to vector<16xi32>
          %or3A_326 = arith.ori %xor3A_323, %or3A_325 : vector<16xi32>
          %gather3A_327 = tpu.vector_load_idx %arg6[%add3A_99, %xor3A_323] : memref<128x256xf32, #tpu.memory_space<vmem>>[vector<16xi32>, vector<16xi32>], vector<16xf32>,
          %gather3A_328 = tpu.vector_load_idx %arg6[%add3A_99, %or3A_326] : memref<128x256xf32, #tpu.memory_space<vmem>>[vector<16xi32>, vector<16xi32>], vector<16xf32>,
          %gather3A_329 = tpu.vector_load_idx %arg7[%add3A_99, %xor3A_323] : memref<128x256xf32, #tpu.memory_space<vmem>>[vector<16xi32>, vector<16xi32>], vector<16xf32>,
          %gather3A_330 = tpu.vector_load_idx %arg7[%add3A_99, %or3A_326] : memref<128x256xf32, #tpu.memory_space<vmem>>[vector<16xi32>, vector<16xi32>], vector<16xf32>,
          %sub3A_331 = arith.subf %gather3A_329, %gather3A_327 : vector<16xf32>
          %max3A_332 = arith.constant 0.000000e+00 : f32
          %max3A_333 = vector.broadcast %max3A_332 : f32 to vector<16xf32>
          %max3A_334 = arith.maximumf %sub3A_331, %max3A_333 : vector<16xf32>
          %mul3A_335 = arith.mulf %max3A_334, %max3A_334 : vector<16xf32>
          %add3A_336 = arith.addf %add3A_272, %mul3A_335 : vector<16xf32>
          %sub3A_337 = arith.subf %gather3A_328, %gather3A_330 : vector<16xf32>
          %sub3A_338 = arith.subf %sub3A_337, %sub3A_331 : vector<16xf32>
          %max3A_339 = arith.constant 0.000000e+00 : f32
          %max3A_340 = vector.broadcast %max3A_339 : f32 to vector<16xf32>
          %max3A_341 = arith.maximumf %sub3A_338, %max3A_340 : vector<16xf32>
          %mul3A_342 = arith.mulf %max3A_341, %max3A_341 : vector<16xf32>
          %add3A_343 = arith.addf %add3A_279, %mul3A_342 : vector<16xf32>
          %min3A_344 = arith.constant 0.000000e+00 : f32
          %min3A_345 = vector.broadcast %min3A_344 : f32 to vector<16xf32>
          %min3A_346 = arith.minimumf %gather3A_328, %min3A_345 : vector<16xf32>
          %sub3A_347 = arith.subf %sub3A_287, %min3A_346 : vector<16xf32>
          %min3A_348 = arith.constant 0.000000e+00 : f32
          %min3A_349 = vector.broadcast %min3A_348 : f32 to vector<16xf32>
          %min3A_350 = arith.minimumf %gather3A_330, %min3A_349 : vector<16xf32>
          %sub3A_351 = arith.subf %sub3A_347, %min3A_350 : vector<16xf32>
          %add3A_352 = arith.constant 5 : i32
          %add3A_353 = arith.addi %mul3A_196, %add3A_352 : i32
          %xor3A_354 = vector.broadcast %add3A_353 : i32 to vector<16xi32>
          %xor3A_355 = arith.xori %iota3A, %xor3A_354 : vector<16xi32>
          %or3A_356 = arith.constant 128 : i32
          %or3A_357 = vector.broadcast %or3A_356 : i32 to vector<16xi32>
          %or3A_358 = arith.ori %xor3A_355, %or3A_357 : vector<16xi32>
          %gather3A_359 = tpu.vector_load_idx %arg6[%add3A_99, %xor3A_355] : memref<128x256xf32, #tpu.memory_space<vmem>>[vector<16xi32>, vector<16xi32>], vector<16xf32>,
          %gather3A_360 = tpu.vector_load_idx %arg6[%add3A_99, %or3A_358] : memref<128x256xf32, #tpu.memory_space<vmem>>[vector<16xi32>, vector<16xi32>], vector<16xf32>,
          %gather3A_361 = tpu.vector_load_idx %arg7[%add3A_99, %xor3A_355] : memref<128x256xf32, #tpu.memory_space<vmem>>[vector<16xi32>, vector<16xi32>], vector<16xf32>,
          %gather3A_362 = tpu.vector_load_idx %arg7[%add3A_99, %or3A_358] : memref<128x256xf32, #tpu.memory_space<vmem>>[vector<16xi32>, vector<16xi32>], vector<16xf32>,
          %sub3A_363 = arith.subf %gather3A_361, %gather3A_359 : vector<16xf32>
          %max3A_364 = arith.constant 0.000000e+00 : f32
          %max3A_365 = vector.broadcast %max3A_364 : f32 to vector<16xf32>
          %max3A_366 = arith.maximumf %sub3A_363, %max3A_365 : vector<16xf32>
          %mul3A_367 = arith.mulf %max3A_366, %max3A_366 : vector<16xf32>
          %add3A_368 = arith.addf %add3A_304, %mul3A_367 : vector<16xf32>
          %sub3A_369 = arith.subf %gather3A_360, %gather3A_362 : vector<16xf32>
          %sub3A_370 = arith.subf %sub3A_369, %sub3A_363 : vector<16xf32>
          %max3A_371 = arith.constant 0.000000e+00 : f32
          %max3A_372 = vector.broadcast %max3A_371 : f32 to vector<16xf32>
          %max3A_373 = arith.maximumf %sub3A_370, %max3A_372 : vector<16xf32>
          %mul3A_374 = arith.mulf %max3A_373, %max3A_373 : vector<16xf32>
          %add3A_375 = arith.addf %add3A_311, %mul3A_374 : vector<16xf32>
          %min3A_376 = arith.constant 0.000000e+00 : f32
          %min3A_377 = vector.broadcast %min3A_376 : f32 to vector<16xf32>
          %min3A_378 = arith.minimumf %gather3A_360, %min3A_377 : vector<16xf32>
          %sub3A_379 = arith.subf %sub3A_319, %min3A_378 : vector<16xf32>
          %min3A_380 = arith.constant 0.000000e+00 : f32
          %min3A_381 = vector.broadcast %min3A_380 : f32 to vector<16xf32>
          %min3A_382 = arith.minimumf %gather3A_362, %min3A_381 : vector<16xf32>
          %sub3A_383 = arith.subf %sub3A_379, %min3A_382 : vector<16xf32>
          %add3A_384 = arith.constant 6 : i32
          %add3A_385 = arith.addi %mul3A_196, %add3A_384 : i32
          %xor3A_386 = vector.broadcast %add3A_385 : i32 to vector<16xi32>
          %xor3A_387 = arith.xori %iota3A, %xor3A_386 : vector<16xi32>
          %or3A_388 = arith.constant 128 : i32
          %or3A_389 = vector.broadcast %or3A_388 : i32 to vector<16xi32>
          %or3A_390 = arith.ori %xor3A_387, %or3A_389 : vector<16xi32>
          %gather3A_391 = tpu.vector_load_idx %arg6[%add3A_99, %xor3A_387] : memref<128x256xf32, #tpu.memory_space<vmem>>[vector<16xi32>, vector<16xi32>], vector<16xf32>,
          %gather3A_392 = tpu.vector_load_idx %arg6[%add3A_99, %or3A_390] : memref<128x256xf32, #tpu.memory_space<vmem>>[vector<16xi32>, vector<16xi32>], vector<16xf32>,
          %gather3A_393 = tpu.vector_load_idx %arg7[%add3A_99, %xor3A_387] : memref<128x256xf32, #tpu.memory_space<vmem>>[vector<16xi32>, vector<16xi32>], vector<16xf32>,
          %gather3A_394 = tpu.vector_load_idx %arg7[%add3A_99, %or3A_390] : memref<128x256xf32, #tpu.memory_space<vmem>>[vector<16xi32>, vector<16xi32>], vector<16xf32>,
          %sub3A_395 = arith.subf %gather3A_393, %gather3A_391 : vector<16xf32>
          %max3A_396 = arith.constant 0.000000e+00 : f32
          %max3A_397 = vector.broadcast %max3A_396 : f32 to vector<16xf32>
          %max3A_398 = arith.maximumf %sub3A_395, %max3A_397 : vector<16xf32>
          %mul3A_399 = arith.mulf %max3A_398, %max3A_398 : vector<16xf32>
          %add3A_400 = arith.addf %add3A_336, %mul3A_399 : vector<16xf32>
          %sub3A_401 = arith.subf %gather3A_392, %gather3A_394 : vector<16xf32>
          %sub3A_402 = arith.subf %sub3A_401, %sub3A_395 : vector<16xf32>
          %max3A_403 = arith.constant 0.000000e+00 : f32
          %max3A_404 = vector.broadcast %max3A_403 : f32 to vector<16xf32>
          %max3A_405 = arith.maximumf %sub3A_402, %max3A_404 : vector<16xf32>
          %mul3A_406 = arith.mulf %max3A_405, %max3A_405 : vector<16xf32>
          %add3A_407 = arith.addf %add3A_343, %mul3A_406 : vector<16xf32>
          %min3A_408 = arith.constant 0.000000e+00 : f32
          %min3A_409 = vector.broadcast %min3A_408 : f32 to vector<16xf32>
          %min3A_410 = arith.minimumf %gather3A_392, %min3A_409 : vector<16xf32>
          %sub3A_411 = arith.subf %sub3A_351, %min3A_410 : vector<16xf32>
          %min3A_412 = arith.constant 0.000000e+00 : f32
          %min3A_413 = vector.broadcast %min3A_412 : f32 to vector<16xf32>
          %min3A_414 = arith.minimumf %gather3A_394, %min3A_413 : vector<16xf32>
          %sub3A_415 = arith.subf %sub3A_411, %min3A_414 : vector<16xf32>
          %add3A_416 = arith.constant 7 : i32
          %add3A_417 = arith.addi %mul3A_196, %add3A_416 : i32
          %xor3A_418 = vector.broadcast %add3A_417 : i32 to vector<16xi32>
          %xor3A_419 = arith.xori %iota3A, %xor3A_418 : vector<16xi32>
          %or3A_420 = arith.constant 128 : i32
          %or3A_421 = vector.broadcast %or3A_420 : i32 to vector<16xi32>
          %or3A_422 = arith.ori %xor3A_419, %or3A_421 : vector<16xi32>
          %gather3A_423 = tpu.vector_load_idx %arg6[%add3A_99, %xor3A_419] : memref<128x256xf32, #tpu.memory_space<vmem>>[vector<16xi32>, vector<16xi32>], vector<16xf32>,
          %gather3A_424 = tpu.vector_load_idx %arg6[%add3A_99, %or3A_422] : memref<128x256xf32, #tpu.memory_space<vmem>>[vector<16xi32>, vector<16xi32>], vector<16xf32>,
          %gather3A_425 = tpu.vector_load_idx %arg7[%add3A_99, %xor3A_419] : memref<128x256xf32, #tpu.memory_space<vmem>>[vector<16xi32>, vector<16xi32>], vector<16xf32>,
          %gather3A_426 = tpu.vector_load_idx %arg7[%add3A_99, %or3A_422] : memref<128x256xf32, #tpu.memory_space<vmem>>[vector<16xi32>, vector<16xi32>], vector<16xf32>,
          %sub3A_427 = arith.subf %gather3A_425, %gather3A_423 : vector<16xf32>
          %max3A_428 = arith.constant 0.000000e+00 : f32
          %max3A_429 = vector.broadcast %max3A_428 : f32 to vector<16xf32>
          %max3A_430 = arith.maximumf %sub3A_427, %max3A_429 : vector<16xf32>
          %mul3A_431 = arith.mulf %max3A_430, %max3A_430 : vector<16xf32>
          %add3A_432 = arith.addf %add3A_368, %mul3A_431 : vector<16xf32>
          %sub3A_433 = arith.subf %gather3A_424, %gather3A_426 : vector<16xf32>
          %sub3A_434 = arith.subf %sub3A_433, %sub3A_427 : vector<16xf32>
          %max3A_435 = arith.constant 0.000000e+00 : f32
          %max3A_436 = vector.broadcast %max3A_435 : f32 to vector<16xf32>
          %max3A_437 = arith.maximumf %sub3A_434, %max3A_436 : vector<16xf32>
          %mul3A_438 = arith.mulf %max3A_437, %max3A_437 : vector<16xf32>
          %add3A_439 = arith.addf %add3A_375, %mul3A_438 : vector<16xf32>
          %min3A_440 = arith.constant 0.000000e+00 : f32
          %min3A_441 = vector.broadcast %min3A_440 : f32 to vector<16xf32>
          %min3A_442 = arith.minimumf %gather3A_424, %min3A_441 : vector<16xf32>
          %sub3A_443 = arith.subf %sub3A_383, %min3A_442 : vector<16xf32>
          %min3A_444 = arith.constant 0.000000e+00 : f32
          %min3A_445 = vector.broadcast %min3A_444 : f32 to vector<16xf32>
          %min3A_446 = arith.minimumf %gather3A_426, %min3A_445 : vector<16xf32>
          %sub3A_447 = arith.subf %sub3A_443, %min3A_446 : vector<16xf32>
          scf.yield %add3A_400, %add3A_407, %sub3A_415, %add3A_432, %add3A_439, %sub3A_447 : vector<16xf32>, vector<16xf32>, vector<16xf32>, vector<16xf32>, vector<16xf32>, vector<16xf32>
        }
        %scan3A_106 = arith.constant 16 : i32
        %add3A_107 = arith.addf %scan3A_105#0, %scan3A_105#3 : vector<16xf32>
        %add3A_108 = arith.addf %scan3A_105#1, %scan3A_105#4 : vector<16xf32>
        %add3A_109 = arith.addf %scan3A_105#2, %scan3A_105#5 : vector<16xf32>
        %bitcast3A = vector.bitcast %add3A_107 : vector<16xf32> to vector<16xi32>
        %shift_right_arithmetic3A = arith.constant 1 : i32
        %shift_right_arithmetic3A_110 = vector.broadcast %shift_right_arithmetic3A : i32 to vector<16xi32>
        %shift_right_arithmetic3A_111 = arith.shrsi %bitcast3A, %shift_right_arithmetic3A_110 : vector<16xi32>
        %sub3A = arith.constant 1597463007 : i32
        %sub3A_112 = vector.broadcast %sub3A : i32 to vector<16xi32>
        %sub3A_113 = arith.subi %sub3A_112, %shift_right_arithmetic3A_111 : vector<16xi32>
        %bitcast3A_114 = vector.bitcast %sub3A_113 : vector<16xi32> to vector<16xf32>
        %mul3A_115 = arith.constant 5.000000e-01 : f32
        %mul3A_116 = vector.broadcast %mul3A_115 : f32 to vector<16xf32>
        %mul3A_117 = arith.mulf %mul3A_116, %add3A_107 : vector<16xf32>
        %mul3A_118 = arith.mulf %mul3A_117, %bitcast3A_114 : vector<16xf32>
        %mul3A_119 = arith.mulf %mul3A_118, %bitcast3A_114 : vector<16xf32>
        %sub3A_120 = arith.constant 1.500000e+00 : f32
        %sub3A_121 = vector.broadcast %sub3A_120 : f32 to vector<16xf32>
        %sub3A_122 = arith.subf %sub3A_121, %mul3A_119 : vector<16xf32>
        %mul3A_123 = arith.mulf %bitcast3A_114, %sub3A_122 : vector<16xf32>
        %mul3A_124 = arith.constant 5.000000e-01 : f32
        %mul3A_125 = vector.broadcast %mul3A_124 : f32 to vector<16xf32>
        %mul3A_126 = arith.mulf %mul3A_125, %add3A_107 : vector<16xf32>
        %mul3A_127 = arith.mulf %mul3A_126, %mul3A_123 : vector<16xf32>
        %mul3A_128 = arith.mulf %mul3A_127, %mul3A_123 : vector<16xf32>
        %sub3A_129 = arith.constant 1.500000e+00 : f32
        %sub3A_130 = vector.broadcast %sub3A_129 : f32 to vector<16xf32>
        %sub3A_131 = arith.subf %sub3A_130, %mul3A_128 : vector<16xf32>
        %mul3A_132 = arith.mulf %mul3A_123, %sub3A_131 : vector<16xf32>
        %mul3A_133 = arith.constant 5.000000e-01 : f32
        %mul3A_134 = vector.broadcast %mul3A_133 : f32 to vector<16xf32>
        %mul3A_135 = arith.mulf %mul3A_134, %add3A_107 : vector<16xf32>
        %mul3A_136 = arith.mulf %mul3A_135, %mul3A_132 : vector<16xf32>
        %mul3A_137 = arith.mulf %mul3A_136, %mul3A_132 : vector<16xf32>
        %sub3A_138 = arith.constant 1.500000e+00 : f32
        %sub3A_139 = vector.broadcast %sub3A_138 : f32 to vector<16xf32>
        %sub3A_140 = arith.subf %sub3A_139, %mul3A_137 : vector<16xf32>
        %mul3A_141 = arith.mulf %mul3A_132, %sub3A_140 : vector<16xf32>
        %mul3A_142 = arith.mulf %add3A_107, %mul3A_141 : vector<16xf32>
        %bitcast3A_143 = vector.bitcast %add3A_108 : vector<16xf32> to vector<16xi32>
        %shift_right_arithmetic3A_144 = arith.constant 1 : i32
        %shift_right_arithmetic3A_145 = vector.broadcast %shift_right_arithmetic3A_144 : i32 to vector<16xi32>
        %shift_right_arithmetic3A_146 = arith.shrsi %bitcast3A_143, %shift_right_arithmetic3A_145 : vector<16xi32>
        %sub3A_147 = arith.constant 1597463007 : i32
        %sub3A_148 = vector.broadcast %sub3A_147 : i32 to vector<16xi32>
        %sub3A_149 = arith.subi %sub3A_148, %shift_right_arithmetic3A_146 : vector<16xi32>
        %bitcast3A_150 = vector.bitcast %sub3A_149 : vector<16xi32> to vector<16xf32>
        %mul3A_151 = arith.constant 5.000000e-01 : f32
        %mul3A_152 = vector.broadcast %mul3A_151 : f32 to vector<16xf32>
        %mul3A_153 = arith.mulf %mul3A_152, %add3A_108 : vector<16xf32>
        %mul3A_154 = arith.mulf %mul3A_153, %bitcast3A_150 : vector<16xf32>
        %mul3A_155 = arith.mulf %mul3A_154, %bitcast3A_150 : vector<16xf32>
        %sub3A_156 = arith.constant 1.500000e+00 : f32
        %sub3A_157 = vector.broadcast %sub3A_156 : f32 to vector<16xf32>
        %sub3A_158 = arith.subf %sub3A_157, %mul3A_155 : vector<16xf32>
        %mul3A_159 = arith.mulf %bitcast3A_150, %sub3A_158 : vector<16xf32>
        %mul3A_160 = arith.constant 5.000000e-01 : f32
        %mul3A_161 = vector.broadcast %mul3A_160 : f32 to vector<16xf32>
        %mul3A_162 = arith.mulf %mul3A_161, %add3A_108 : vector<16xf32>
        %mul3A_163 = arith.mulf %mul3A_162, %mul3A_159 : vector<16xf32>
        %mul3A_164 = arith.mulf %mul3A_163, %mul3A_159 : vector<16xf32>
        %sub3A_165 = arith.constant 1.500000e+00 : f32
        %sub3A_166 = vector.broadcast %sub3A_165 : f32 to vector<16xf32>
        %sub3A_167 = arith.subf %sub3A_166, %mul3A_164 : vector<16xf32>
        %mul3A_168 = arith.mulf %mul3A_159, %sub3A_167 : vector<16xf32>
        %mul3A_169 = arith.constant 5.000000e-01 : f32
        %mul3A_170 = vector.broadcast %mul3A_169 : f32 to vector<16xf32>
        %mul3A_171 = arith.mulf %mul3A_170, %add3A_108 : vector<16xf32>
        %mul3A_172 = arith.mulf %mul3A_171, %mul3A_168 : vector<16xf32>
        %mul3A_173 = arith.mulf %mul3A_172, %mul3A_168 : vector<16xf32>
        %sub3A_174 = arith.constant 1.500000e+00 : f32
        %sub3A_175 = vector.broadcast %sub3A_174 : f32 to vector<16xf32>
        %sub3A_176 = arith.subf %sub3A_175, %mul3A_173 : vector<16xf32>
        %mul3A_177 = arith.mulf %mul3A_168, %sub3A_176 : vector<16xf32>
        %mul3A_178 = arith.mulf %add3A_108, %mul3A_177 : vector<16xf32>
        %add3A_179 = arith.addf %mul3A_142, %mul3A_178 : vector<16xf32>
        %add3A_180 = arith.addf %add3A_179, %add3A_109 : vector<16xf32>
        %mul3A_181 = arith.constant 64 : i32
        %mul3A_182 = arith.muli %scan3A_54, %mul3A_181 : i32
        %mul3A_183 = arith.constant 16 : i32
        %mul3A_184 = arith.muli %scan3A_93, %mul3A_183 : i32
        %add3A_185 = arith.addi %mul3A_182, %mul3A_184 : i32
        %swap3A = arith.index_cast %add3A_185 : i32 to index
        %swap3A_186 = tpu.vector_load %arg8[%swap3A] {strides = array<i32>} : memref<512xf32, #tpu.memory_space<vmem>>, vector<16xf32>,
        tpu.vector_store %arg8[%swap3A], %add3A_180 {strides = array<i32>} : memref<512xf32, #tpu.memory_space<vmem>>, vector<16xf32>,
        %scan3A_187 = arith.constant 0 : i32
        scf.yield %scan3A_187 : i32
      }
      %scan3A_72 = arith.constant 4 : i32
      %eq3A_73 = arith.constant 0 : i32
      %eq3A_74 = arith.cmpi eq, %and3A_56, %eq3A_73 : i32
      %add3A_75 = arith.constant 2 : i32
      %add3A_76 = arith.addi %scan3A_54, %add3A_75 : i32
      %lt3A = arith.constant 8 : i32
      %lt3A_77 = arith.cmpi slt, %add3A_76, %lt3A : i32
      %and3A_78 = arith.andi %eq3A_74, %lt3A_77 : i1
      %convert_element_type3A_79 = arith.extui %and3A_78 : i1 to i32
      %cond3A_80 = arith.constant 0 : i32
      %cond3A_81 = arith.cmpi ne, %convert_element_type3A_79, %cond3A_80 : i32
      scf.if %cond3A_81 {
        %add3A_93 = arith.constant 2 : i32
        %add3A_94 = arith.addi %scan3A_54, %add3A_93 : i32
        %jit3A = arith.constant 2 : i32
        %div3A = arith.divsi %add3A_94, %jit3A : i32
        %sign3A = arith.constant 0 : i32
        %sign3A_95 = arith.cmpi sgt, %add3A_94, %sign3A : i32
        %sign3A_96 = arith.extui %sign3A_95 : i1 to i32
        %sign3A_97 = arith.constant 0 : i32
        %sign3A_98 = arith.cmpi slt, %add3A_94, %sign3A_97 : i32
        %sign3A_99 = arith.extui %sign3A_98 : i1 to i32
        %sign3A_100 = arith.subi %sign3A_96, %sign3A_99 : i32
        %sign3A_101 = arith.constant 0 : i32
        %sign3A_102 = arith.cmpi sgt, %jit3A, %sign3A_101 : i32
        %sign3A_103 = arith.extui %sign3A_102 : i1 to i32
        %sign3A_104 = arith.constant 0 : i32
        %sign3A_105 = arith.cmpi slt, %jit3A, %sign3A_104 : i32
        %sign3A_106 = arith.extui %sign3A_105 : i1 to i32
        %sign3A_107 = arith.subi %sign3A_103, %sign3A_106 : i32
        %ne3A = arith.cmpi ne, %sign3A_100, %sign3A_107 : i32
        %rem3A = arith.remsi %add3A_94, %jit3A : i32
        %ne3A_108 = arith.constant 0 : i32
        %ne3A_109 = arith.cmpi ne, %rem3A, %ne3A_108 : i32
        %and3A_110 = arith.andi %ne3A, %ne3A_109 : i1
        %sub3A = arith.constant 1 : i32
        %sub3A_111 = arith.subi %div3A, %sub3A : i32
        %select_n3A = arith.select %and3A_110, %sub3A_111, %div3A : i32
        %dma_start3A_112 = arith.constant 0 : i32
        %dma_start3A_113 = arith.constant 0 : i32
        %dma_start3A_114 = arith.constant 0 : i32
        %dma_start3A_115 = tpu.memref_slice %arg6[%dma_start3A_113, %dma_start3A_114] : memref<128x256xf32, #tpu.memory_space<vmem>> -> memref<64x256xf32, #tpu.memory_space<vmem>>
        %dma_start3A_116 = arith.constant 0 : i32
        %dma_start3A_117 = tpu.memref_slice %arg5[%select_n3A, %dma_start3A_112, %dma_start3A_116] : memref<4x2x128xi32, #tpu.memory_space<vmem>> -> memref<1x1x64xi32, #tpu.memory_space<vmem>>
        %dma_start3A_118 = tpu.memref_squeeze %dma_start3A_117 : memref<1x1x64xi32, #tpu.memory_space<vmem>> -> memref<64xi32, #tpu.memory_space<vmem>>
        %dma_start3A_119 = arith.constant 0 : i32
        %dma_start3A_120 = arith.constant 0 : i32
        %dma_start3A_121 = tpu.memref_slice %arg3[%dma_start3A_119, %dma_start3A_120] : memref<100000x256xf32, #tpu.memory_space<hbm>> -> memref<100000x256xf32, #tpu.memory_space<hbm>>
        tpu.enqueue_indirect_dma source(%dma_start3A_121 : memref<100000x256xf32, #tpu.memory_space<hbm>>) target(%dma_start3A_115 : memref<64x256xf32, #tpu.memory_space<vmem>>) offsets(%dma_start3A_118 : memref<64xi32, #tpu.memory_space<vmem>>) semaphore(%arg9 : memref<!tpu.dma_semaphore, #tpu.memory_space<semaphore_mem>>)
        %dma_start3A_122 = arith.constant 1 : i32
        %dma_start3A_123 = arith.constant 0 : i32
        %dma_start3A_124 = arith.constant 0 : i32
        %dma_start3A_125 = tpu.memref_slice %arg7[%dma_start3A_123, %dma_start3A_124] : memref<128x256xf32, #tpu.memory_space<vmem>> -> memref<64x256xf32, #tpu.memory_space<vmem>>
        %dma_start3A_126 = arith.constant 0 : i32
        %dma_start3A_127 = tpu.memref_slice %arg5[%select_n3A, %dma_start3A_122, %dma_start3A_126] : memref<4x2x128xi32, #tpu.memory_space<vmem>> -> memref<1x1x64xi32, #tpu.memory_space<vmem>>
        %dma_start3A_128 = tpu.memref_squeeze %dma_start3A_127 : memref<1x1x64xi32, #tpu.memory_space<vmem>> -> memref<64xi32, #tpu.memory_space<vmem>>
        %dma_start3A_129 = arith.constant 0 : i32
        %dma_start3A_130 = arith.constant 0 : i32
        %dma_start3A_131 = tpu.memref_slice %arg3[%dma_start3A_129, %dma_start3A_130] : memref<100000x256xf32, #tpu.memory_space<hbm>> -> memref<100000x256xf32, #tpu.memory_space<hbm>>
        tpu.enqueue_indirect_dma source(%dma_start3A_131 : memref<100000x256xf32, #tpu.memory_space<hbm>>) target(%dma_start3A_125 : memref<64x256xf32, #tpu.memory_space<vmem>>) offsets(%dma_start3A_128 : memref<64xi32, #tpu.memory_space<vmem>>) semaphore(%arg10 : memref<!tpu.dma_semaphore, #tpu.memory_space<semaphore_mem>>)
      } else {
      }
      %eq3A_82 = arith.constant 1 : i32
      %eq3A_83 = arith.cmpi eq, %and3A_56, %eq3A_82 : i32
      %add3A_84 = arith.constant 2 : i32
      %add3A_85 = arith.addi %scan3A_54, %add3A_84 : i32
      %lt3A_86 = arith.constant 8 : i32
      %lt3A_87 = arith.cmpi slt, %add3A_85, %lt3A_86 : i32
      %and3A_88 = arith.andi %eq3A_83, %lt3A_87 : i1
      %convert_element_type3A_89 = arith.extui %and3A_88 : i1 to i32
      %cond3A_90 = arith.constant 0 : i32
      %cond3A_91 = arith.cmpi ne, %convert_element_type3A_89, %cond3A_90 : i32
      scf.if %cond3A_91 {
        %add3A_93 = arith.constant 2 : i32
        %add3A_94 = arith.addi %scan3A_54, %add3A_93 : i32
        %jit3A = arith.constant 2 : i32
        %div3A = arith.divsi %add3A_94, %jit3A : i32
        %sign3A = arith.constant 0 : i32
        %sign3A_95 = arith.cmpi sgt, %add3A_94, %sign3A : i32
        %sign3A_96 = arith.extui %sign3A_95 : i1 to i32
        %sign3A_97 = arith.constant 0 : i32
        %sign3A_98 = arith.cmpi slt, %add3A_94, %sign3A_97 : i32
        %sign3A_99 = arith.extui %sign3A_98 : i1 to i32
        %sign3A_100 = arith.subi %sign3A_96, %sign3A_99 : i32
        %sign3A_101 = arith.constant 0 : i32
        %sign3A_102 = arith.cmpi sgt, %jit3A, %sign3A_101 : i32
        %sign3A_103 = arith.extui %sign3A_102 : i1 to i32
        %sign3A_104 = arith.constant 0 : i32
        %sign3A_105 = arith.cmpi slt, %jit3A, %sign3A_104 : i32
        %sign3A_106 = arith.extui %sign3A_105 : i1 to i32
        %sign3A_107 = arith.subi %sign3A_103, %sign3A_106 : i32
        %ne3A = arith.cmpi ne, %sign3A_100, %sign3A_107 : i32
        %rem3A = arith.remsi %add3A_94, %jit3A : i32
        %ne3A_108 = arith.constant 0 : i32
        %ne3A_109 = arith.cmpi ne, %rem3A, %ne3A_108 : i32
        %and3A_110 = arith.andi %ne3A, %ne3A_109 : i1
        %sub3A = arith.constant 1 : i32
        %sub3A_111 = arith.subi %div3A, %sub3A : i32
        %select_n3A = arith.select %and3A_110, %sub3A_111, %div3A : i32
        %dma_start3A_112 = arith.constant 0 : i32
        %dma_start3A_113 = arith.constant 64 : i32
        %dma_start3A_114 = arith.constant 0 : i32
        %dma_start3A_115 = tpu.memref_slice %arg6[%dma_start3A_113, %dma_start3A_114] : memref<128x256xf32, #tpu.memory_space<vmem>> -> memref<64x256xf32, #tpu.memory_space<vmem>>
        %dma_start3A_116 = arith.constant 64 : i32
        %dma_start3A_117 = tpu.memref_slice %arg5[%select_n3A, %dma_start3A_112, %dma_start3A_116] : memref<4x2x128xi32, #tpu.memory_space<vmem>> -> memref<1x1x64xi32, #tpu.memory_space<vmem>>
        %dma_start3A_118 = tpu.memref_squeeze %dma_start3A_117 : memref<1x1x64xi32, #tpu.memory_space<vmem>> -> memref<64xi32, #tpu.memory_space<vmem>>
        %dma_start3A_119 = arith.constant 0 : i32
        %dma_start3A_120 = arith.constant 0 : i32
        %dma_start3A_121 = tpu.memref_slice %arg3[%dma_start3A_119, %dma_start3A_120] : memref<100000x256xf32, #tpu.memory_space<hbm>> -> memref<100000x256xf32, #tpu.memory_space<hbm>>
        tpu.enqueue_indirect_dma source(%dma_start3A_121 : memref<100000x256xf32, #tpu.memory_space<hbm>>) target(%dma_start3A_115 : memref<64x256xf32, #tpu.memory_space<vmem>>) offsets(%dma_start3A_118 : memref<64xi32, #tpu.memory_space<vmem>>) semaphore(%arg11 : memref<!tpu.dma_semaphore, #tpu.memory_space<semaphore_mem>>)
        %dma_start3A_122 = arith.constant 1 : i32
        %dma_start3A_123 = arith.constant 64 : i32
        %dma_start3A_124 = arith.constant 0 : i32
        %dma_start3A_125 = tpu.memref_slice %arg7[%dma_start3A_123, %dma_start3A_124] : memref<128x256xf32, #tpu.memory_space<vmem>> -> memref<64x256xf32, #tpu.memory_space<vmem>>
        %dma_start3A_126 = arith.constant 64 : i32
        %dma_start3A_127 = tpu.memref_slice %arg5[%select_n3A, %dma_start3A_122, %dma_start3A_126] : memref<4x2x128xi32, #tpu.memory_space<vmem>> -> memref<1x1x64xi32, #tpu.memory_space<vmem>>
        %dma_start3A_128 = tpu.memref_squeeze %dma_start3A_127 : memref<1x1x64xi32, #tpu.memory_space<vmem>> -> memref<64xi32, #tpu.memory_space<vmem>>
        %dma_start3A_129 = arith.constant 0 : i32
        %dma_start3A_130 = arith.constant 0 : i32
        %dma_start3A_131 = tpu.memref_slice %arg3[%dma_start3A_129, %dma_start3A_130] : memref<100000x256xf32, #tpu.memory_space<hbm>> -> memref<100000x256xf32, #tpu.memory_space<hbm>>
        tpu.enqueue_indirect_dma source(%dma_start3A_131 : memref<100000x256xf32, #tpu.memory_space<hbm>>) target(%dma_start3A_125 : memref<64x256xf32, #tpu.memory_space<vmem>>) offsets(%dma_start3A_128 : memref<64xi32, #tpu.memory_space<vmem>>) semaphore(%arg12 : memref<!tpu.dma_semaphore, #tpu.memory_space<semaphore_mem>>)
      } else {
      }
      %scan3A_92 = arith.constant 0 : i32
      scf.yield %scan3A_92 : i32
    }
    %scan3A_51 = arith.constant 8 : i32
    %mul3A_52 = arith.constant 512 : i32
    %mul3A_53 = arith.muli %add3A, %mul3A_52 : i32
    "tpu.region"() ({
      %run_scoped3A = tpu.sem_alloc : memref<!tpu.dma_semaphore, #tpu.memory_space<semaphore_mem>>
      %dma_start3A_54 = tpu.memref_slice %arg4[%mul3A_53] : memref<16384xf32, #tpu.memory_space<hbm>> -> memref<512xf32, #tpu.memory_space<hbm>>
      %dma_start3A_55 = tpu.memref_slice %arg4[%mul3A_53] : memref<16384xf32, #tpu.memory_space<hbm>> -> memref<512xf32, #tpu.memory_space<hbm>>
      tpu.enqueue_dma source(%arg8 : memref<512xf32, #tpu.memory_space<vmem>>) target(%dma_start3A_55 : memref<512xf32, #tpu.memory_space<hbm>>) target_semaphore(%run_scoped3A : memref<!tpu.dma_semaphore, #tpu.memory_space<semaphore_mem>>)
      %dma_wait3A = tpu.memref_slice %arg4[%mul3A_53] : memref<16384xf32, #tpu.memory_space<hbm>> -> memref<512xf32, #tpu.memory_space<hbm>>
      %dma_wait3A_56 = tpu.memref_slice %arg4[%mul3A_53] : memref<16384xf32, #tpu.memory_space<hbm>> -> memref<512xf32, #tpu.memory_space<hbm>>
      tpu.wait_dma2 semaphore(%run_scoped3A : memref<!tpu.dma_semaphore, #tpu.memory_space<semaphore_mem>>) src(%arg8 : memref<512xf32, #tpu.memory_space<vmem>>) dst(%dma_wait3A_56 : memref<512xf32, #tpu.memory_space<hbm>>)
      tpu.yield
    }) : () -> ()
    return
  }
}

</mosaic_0001>

<sc_bundles>
// kernel: _sc_forward.3.cloned.1.call-start
scs
__scs_entry_jumppad:
0x0: {  	(pc) =	sbr.rel $0x88, $3  }
0x1: {  	(tag) =	ssettag $0x0;
	lr =	simm.s32 $0x1  }
0x2: {  	[smem:$0x3F9F] =	sst lr;
	_ =	strace $0xD0000000  }
0x3: {  	_ = 	snop  }
0x4: {  	_ = 	snop  }
0x5: {  	_ = 	snop  }
0x6: {  	_ = 	snop  }
0x7: {  	_ = 	snop  }
__scs_overlays_trampoline_lowered:
0x8: {  	[smem:$0x3FAE] =	sst s0  }
0x9: {  	[smem:$0x3FAF] =	sst s1  }
0xa: {  	[smem:$0x3FB0] =	sst s2  }
0xb: {  	[smem:$0x3FB1] =	sst s3  }
0xc: {  	[smem:$0x3FB2] =	sst s4  }
0xd: {  	[smem:$0x3FB3] =	sst s5  }
0xe: {  	[smem:$0x3FB4] =	sst s6  }
0xf: {  	[smem:$0x3FB5] =	sst s7  }
0x10: {  	[smem:$0x3FB6] =	sst s8  }
0x11: {  	[smem:$0x3FB7] =	sst s9;
	s0 =	simm.s32 @!p0 $0x0  }
0x12: {  	s1 =	sld [smem:$0x3F9D];
	s0 =	simm.s32 @p0 $0x1  }
0x13: {  	[smem:$0x3FB8] =	sst s0;
	s0 =	simm.s32 @!p1 $0x0  }
0x14: {  	s2 =	sld [smem:$0x3F9C];
	s0 =	simm.s32 @p1 $0x1  }
0x15: {  	[smem:$0x3FB9] =	sst s0;
	s0 =	simm.s32 @!p2 $0x0  }
0x16: {  	s3 =	sld [smem:$0x3FDB];
	s0 =	simm.s32 @p2 $0x1  }
0x17: {  	s4 =	simm.s32 $0x1BF5;
	[smem:$0x3FBB] =	sst s0  }
0x18: {  	s0 =	sld [smem:$0x3F9E];
	_ =	swait.ge [sflag:s4], $0x0  }
0x19: {  	s7 =	sld [smem:$0x3F9F]  }
0x1a: {  	s8 =	sadd.s32 $0xFFFFE003, lr  }
0x1b: {  	s9 =	sadd.s32 $0xFFFFFEF7, lr;
	s5 =	simm.s32 $0xFFFFFFFF;
	p2 =	slt.u32 s8, $0xFFFFF086  }
0x1c: {  	p1 =	slt.u32 s9, $0xF7A;
	s5 =	simm.s32 @!p2 $0x0  }
0x1d: {  	s5 =	simm.s32 @p1 $0x1;
	p0 =	seq.s32 s7, s2  }
0x1e: {  	s7 =	smul.u32 @!p0 $0xF7A, s2;
	p2 =	seq.s32 @!p0 s5, $0x0  }
0x1f: {  	s9 =	smul.u32 $0xF7A, s1;
	s8 =	simm.s32 @!p0 $0x1BF5;
	p2 =	por !p2, p0  }
0x20: {  	[sflag:s8] =	ssyncset.s32 @!p0 $0xFFFFF086;
	s6 =	sadd.s32 @!p0 s3, s7;
	s7 =	simm.s32 @!p0 $0x108  }
0x21: {  	s3 =	sadd.s32 s3, s9;
	s6 =	sadd.s32 @!p0 $0x88, s6;
	s7 =	simm.s32 @p2 $0x1082  }
0x22: {  	[simem:s7], [sflag:s8] =	dma.local @!p0 [hbm:s6], $0xF7A  }
0x23: {  	s9 =	sor.u32 $0xD0000000, s2;
	s6 =	simm.s32 $0x108;
	_ =	swait.ge @!p0 [sflag:s8], $0x0  }
0x24: {  	s3 =	sadd.s32 $0x88, s3;
	s6 =	simm.s32 @!p1 $0x1082;
	[sflag:s4] =	ssyncset.s32 $0xFFFFF086  }
0x25: {  	[simem:s6], [sflag:s4] =	dma.local [hbm:s3], $0xF7A  }
0x26: {  	[smem:$0x3F9F] =	sst s1;
	(tag) =	ssettag s2;
	_ =	strace s9  }
0x27: {  	s1 =	sld [smem:$0x3FAF]  }
0x28: {  	s2 =	sld [smem:$0x3FB0]  }
0x29: {  	s4 =	sld [smem:$0x3FB2]  }
0x2a: {  	p0 =	seq.s32 s5, $0x0;
	s5 =	sld [smem:$0x3FB3]  }
0x2b: {  	s6 =	sld [smem:$0x3FB4]  }
0x2c: {  	s7 =	sld [smem:$0x3FB5]  }
0x2d: {  	s3 =	simm.s32 $0x108;
	s8 =	sld [smem:$0x3FB6]  }
0x2e: {  	s3 =	simm.s32 @!p0 $0x1082;
	s9 =	sld [smem:$0x3FB7]  }
0x2f: {  	lr =	sadd.s32 s0, s3;
	s0 =	sld [smem:$0x3FAE]  }
0x30: {  	s3 =	sld [smem:$0x3FB1]  }
0x31: {  	[smem:$0x3FBA] =	sst s10  }
0x32: {  	s10 =	sld [smem:$0x3FB8];
	_ =	sdelay $0x3  }
0x33: {  	p0 =	seq.s32 s10, $0x1;
	s10 =	sld [smem:$0x3FBA];
	_ =	sdelay $0x3  }
0x34: {  	[smem:$0x3FBA] =	sst s10  }
0x35: {  	s10 =	sld [smem:$0x3FB9];
	_ =	sdelay $0x3  }
0x36: {  	p1 =	seq.s32 s10, $0x1;
	s10 =	sld [smem:$0x3FBA];
	_ =	sdelay $0x3  }
0x37: {  	[smem:$0x3FBA] =	sst s10  }
0x38: {  	s10 =	sld [smem:$0x3FBB]  }
0x39: {  	_ = 	snop;
	(pc) =	sbr.ind lr, $3  }
0x3a: {  	_ = 	snop  }
0x3b: {  	_ = 	snop  }
0x3c: {  	p2 =	seq.s32 s10, $0x1;
	s10 =	sld [smem:$0x3FBA]  }
0x3d: {  	_ =	shalt  }
0x3e: {  	_ =	shalt  }
0x3f: {  	_ =	shalt  }
0x40: {  	_ =	shalt  }
0x41: {  	_ =	shalt  }
0x42: {  	_ =	shalt  }
0x43: {  	_ =	shalt  }
0x44: {  	_ =	shalt  }
0x45: {  	_ =	shalt  }
0x46: {  	_ =	shalt  }
0x47: {  	_ =	shalt  }
0x48: {  	_ =	shalt  }
0x49: {  	_ =	shalt  }
0x4a: {  	_ =	shalt  }
0x4b: {  	_ =	shalt  }
0x4c: {  	_ =	shalt  }
0x4d: {  	_ =	shalt  }
0x4e: {  	_ =	shalt  }
0x4f: {  	_ =	shalt  }
0x50: {  	_ =	shalt  }
0x51: {  	_ =	shalt  }
0x52: {  	_ =	shalt  }
0x53: {  	_ =	shalt  }
0x54: {  	_ =	shalt  }
0x55: {  	_ =	shalt  }
0x56: {  	_ =	shalt  }
0x57: {  	_ =	shalt  }
0x58: {  	_ =	shalt  }
0x59: {  	_ =	shalt  }
0x5a: {  	_ =	shalt  }
0x5b: {  	_ =	shalt  }
0x5c: {  	_ =	shalt  }
0x5d: {  	_ =	shalt  }
0x5e: {  	_ =	shalt  }
0x5f: {  	_ =	shalt  }
0x60: {  	_ =	shalt  }
0x61: {  	_ =	shalt  }
0x62: {  	_ =	shalt  }
0x63: {  	_ =	shalt  }
0x64: {  	_ =	shalt  }
0x65: {  	_ =	shalt  }
0x66: {  	_ =	shalt  }
0x67: {  	_ =	shalt  }
0x68: {  	_ =	shalt  }
0x69: {  	_ =	shalt  }
0x6a: {  	_ =	shalt  }
0x6b: {  	_ =	shalt  }
0x6c: {  	_ =	shalt  }
0x6d: {  	_ =	shalt  }
0x6e: {  	_ =	shalt  }
0x6f: {  	_ =	shalt  }
0x70: {  	_ =	shalt  }
0x71: {  	_ =	shalt  }
0x72: {  	_ =	shalt  }
0x73: {  	_ =	shalt  }
0x74: {  	_ =	shalt  }
0x75: {  	_ =	shalt  }
0x76: {  	_ =	shalt  }
0x77: {  	_ =	shalt  }
0x78: {  	_ =	shalt  }
0x79: {  	_ =	shalt  }
0x7a: {  	_ =	shalt  }
0x7b: {  	_ =	shalt  }
0x7c: {  	_ =	shalt  }
0x7d: {  	_ =	shalt  }
0x7e: {  	_ =	shalt  }
0x7f: {  	_ =	shalt  }
0x80: {  	_ =	shalt  }
0x81: {  	_ =	shalt  }
0x82: {  	_ =	shalt  }
0x83: {  	_ =	shalt  }
0x84: {  	_ =	shalt  }
0x85: {  	_ =	shalt  }
0x86: {  	_ =	shalt  }
0x87: {  	_ =	shalt  }
.Lfunc_end0:
.L_simem_size_0:
called_computation_lowered:
.L_overlay_start_0:
0x88: {  	s2 =	sld [smem:$0x3FD9]  }
0x89: {  	s3 =	sld [smem:$0x3FFE];
	_ =	sdelay $0x1  }
0x8a: {  	s1 =	srdreg.scid  }
0x8b: {  	s0 =	sand.u32 $0x1, s1  }
0x8c: {  	s18 =	sshll.u32 s0, $0xA;
	s2 =	sadd.s32 s3, s2  }
0x8d: {  	s2 =	sadd.s32 s2, s18  }
0x8e: {  	[smem:$0x3FC6] =	sst s2  }
0x8f: {  	_ = 	snop  }
0x90: {  	s2 =	sld [smem:$0x3FC9]  }
0x91: {  	s19 =	sld [smem:$0x3FC8]  }
0x92: {  	s4 =	sld [smem:$0x3FD0];
	(tm) =	ssettm $0x1  }
0x93: {  	s5 =	sld [smem:$0x3FFB];
	_ =	sdelay $0x3  }
0x94: {  	_ =	strace s5  }
0x95: {  	s5 =	sld [smem:$0x3FFC];
	_ =	sdelay $0x3  }
0x96: {  	_ =	strace s5  }
0x97: {  	s5 =	sld [smem:$0x3FFD];
	_ =	sdelay $0x3  }
0x98: {  	_ =	strace s5  }
0x99: {  	_ =	strace $0x8FFFFFFF  }
0x9a: {  	s20 =	sld [smem:$0x3FDB];
	_ =	sdelay $0x1  }
0x9b: {  	s6 =	simm.s32 $_scs_section_size  }
0x9c: {  	s7 =	simm.s32 $_size__tile_overlayer_lowered;
	s8 =	simm.s32 $_tile_overlayer_lowered  }
0x9d: {  	s23 =	simm.s32 $0x1BFF;
	s22 =	sshll.u32 s8, $0x1;
	s5 =	sadd.s32 s6, s20  }
0x9e: {  	s9 =	simm.s32 $0x0;
	s21 =	sshll.u32 s7, $0x1;
	s7 =	sadd.s32 s22, s5  }
0x9f: {  	[timem:s9], [sflag:s23] =	dma.local [hbm:s7], s21  }
0xa0: {  	_ =	swait.ge [sflag:s23], s21  }
0xa1: {  	s6 =	ssub.s32 $0x0, s21;
	[sflag:s23] =	ssyncset.done $0x0  }
0xa2: {  	[sflag:s23] =	ssyncadd.s32 s6;
	_ =	sdelay $0x1  }
0xa3: {  	s24 =	simm.s32 $0x1B8B  }
0xa4: {  	_ =	swait.ge [sflag:s24], $0x1  }
0xa5: {  	[sflag:s24] =	ssyncset.done $0x0  }
0xa6: {  	s25 =	simm.s32 $0x1B8E;
	[sflag:s24] =	ssyncadd.s32 $0xFFFFFFFF  }
0xa7: {  	s26 =	simm.s32 $execute0_lowered;
	[smem:$0x3FD2] =	sst s25  }
0xa8: {  	s6 =	sshll.u32 s26, $0x1;
	_ =	strace $0x80000046;
	[dreg:$0x1] =	wrdreg $0xFFFFFFFF  }
0xa9: {  	s28 =	simm.s32 $_size_execute0_lowered;
	s5 =	sadd.s32 s5, s6;
	[dreg:$0x0] =	wrdreg $0x0  }
0xaa: {  	s6 =	sshll.u32 s28, $0x1;
	[dreg:$0x2] =	wrdreg s5  }
0xab: {  	[dreg:$0x3] =	wrdreg s6  }
0xac: {  	[dreg:$0x4] =	wrdreg $0xC0  }
0xad: {  	_ =	task [dreg:s9], $0x5FFFF  }
0xae: {  	[dreg:$0x1] =	wrdreg $0xFFFFFFFF  }
0xaf: {  	[dreg:$0x0] =	wrdreg $0x60  }
0xb0: {  	[dreg:$0x2] =	wrdreg s2  }
0xb1: {  	[dreg:$0x3] =	wrdreg s19  }
0xb2: {  	[dreg:$0x4] =	wrdreg s4  }
0xb3: {  	[dreg:$0x5] =	wrdreg $0x9  }
0xb4: {  	_ =	task.clear_ibuf [dreg:s9], $0x6FFFF;
	_ =	strace $0x90000046  }
0xb5: {  	s29 =	simm.s32 $0x9;
	_ =	strace $0x80000048  }
0xb6: {  	_ =	swait.ge [sflag:s29], $0x1  }
0xb7: {  	[sflag:s29] =	ssyncadd.s32 $0xFFFFFFFF  }
0xb8: {  	_ =	strace $0x90000048  }
0xb9: {  	_ =	sfence  }
0xba: {  	s30 =	sld [smem:$0x0];
	_ =	sdelay $0x2  }
0xbb: {  	s31 =	sshll.u32 s1, $0xD;
	s1 =	sshrl.u32 s1, $0x2  }
0xbc: {  	s3 =	sand.u32 $0x4000, s31;
	s1 =	sadd.s32 s1, s30  }
0xbd: {  	s0 =	sor.u32 s3, s0;
	s1 =	sshll.u32 s1, $0x11  }
0xbe: {  	s0 =	sor.u32 s1, s0  }
0xbf: {  	s0 =	sadd.s32 $0x8F2B, s0  }
0xc0: {  	[sflag:s0] =	ssyncadd.remote.s32 $0x1  }
0xc1: {  	_ =	sfence.sel $0xFFFF  }
0xc2: {  	[dreg:$0x0] =	wrdreg $0xFFFFFFFF;
	(pc) =	sbr.abs _section_cstart, $3  }
0xc3: {  	[dreg:$0x1] =	wrdreg $0xFFFFFFFF  }
0xc4: {  	_ =	task.clear_ibuf [dreg:s9], $0x2FFFF;
	_ =	strace $0x9FFFFFFF  }
0xc5: {  	(tm) =	ssettm $0x7FFFFFFF  }
tec
execute0_lowered:
.L_overlay_start_1:
0x0: {  	(tag) =	ssettag $0x1  }
0x1: {  	s0 =	rddreg [dreg:$0x0]  }
0x2: {  	s1 =	rddreg [dreg:$0x1]  }
0x3: {  	s2 =	rddreg [dreg:$0x2]  }
0x4: {  	s3 =	simm.s32 $0x0;
	s4 =	srdreg.scid;
	s5 =	stileid.u32  }
0x5: {  	s8 =	simm.s32 $0x400;
	s9 =	simm.s32 $0xC00;
	s10 =	simm.s32 $0x1400  }
0x6: {  	s11 =	simm.s32 $0x1C00;
	s12 =	simm.s32 $0x2400;
	s13 =	simm.s32 $0x2C00  }
0x7: {  	s14 =	simm.s32 $0x3400;
	s15 =	simm.s32 $0x3C00;
	s16 =	simm.s32 $0x8400  }
0x8: {  	s17 =	simm.s32 $0x8C00;
	s18 =	simm.s32 $0x9400;
	s19 =	simm.s32 $0x9C00  }
0x9: {  	s20 =	simm.s32 $0xA400;
	s21 =	simm.s32 $0xAC00;
	s22 =	simm.s32 $0xB400  }
0xa: {  	s23 =	simm.s32 $0xBC00;
	s4 =	sand.u32 $0x1, s4;
	s5 =	sshll.u32 s5, $0x1  }
0xb: {  	[smem:$0x7FF] =	sst s3;
	s6 =	ssub.s32 $0x2, s4;
	s4 =	sor.u32 s4, s5  }
.Ltmp0:
0xc: {  	v0 =	vlaneseq.u32;
	_ =	strace $0x80000047;
	s7 =	sshll.u32 s4, $0x7;
	(pc) =	sbr.rel .LBB2_1-.Ltmp0, $4  }
0xd: {  	v1 =	vand.u32 $0x7, v0;
	s29 =	sshrl.u32 s6, $0x1;
	s4 =	sshll.u32 s4, $0x6;
	s0 =	sadd.s32 s0, s7  }
0xe: {  	v2 =	vmul.u32 $0x80, v1;
	s5 =	ssub.s32 s6, s29;
	s30 =	sadd.s32 s2, s4;
	[dreg:$0x4] =	wrdreg s0  }
0xf: {  	vm0 =	vmmov $0xffff;
	s26 =	simm.s32 $0xFC00;
	v3 =	vshrl.u32 v0, $0x3;
	v4 =	vor.u32 $0x8, v0;
	[dreg:$0x5] =	wrdreg s30;
	s31 =	smax.u32 s5, $0x1  }
0x10: {  	v5 =	vmul.u32 $0x100, v0;
	v3 =	vmul.u32 $0x8, v3;
	s2 =	simm.s32 $0x5;
	v6 =	vor.u32 $0x400, v2;
	s4 =	simm.s32 $0x0;
	[dreg:$0x6] =	wrdreg s31  }
.LBB2_11:
0x11: {  	s0 =	rddreg [dreg:$0x5];
	s2 =	simm.s32 $0x10400  }
0x12: {  	[hbm4b:s0+s3] =	stream.linear.scatter [tilespmem:s2], [sflag:$0x5], $0x200, $0x38;
	[tilespmem:$0x10600] =	vst v63  }
0x13: {  	s2 =	simm.s32 $0x5  }
0x14: {  	_ =	swait.ge [sflag:s2], $0x200  }
0x15: {  	s4 =	rddreg [dreg:$0x7]  }
0x16: {  	s31 =	rddreg [dreg:$0x6];
	s4 =	sadd.s32 $0x1, s4  }
0x17: {  	p0 =	sne.s32 s4, s31  }
.Ltmp1:
0x18: {  	_ = 	snop;
	(pc) =	sbr.rel @!p0 .LBB2_12-.Ltmp1, $3  }
0x19: {  	_ =	sdelay $0x1  }
0x1a: {  	[sflag:s2] =	ssyncset.done $0x0  }
0x1b: {  	[sflag:s2] =	ssyncadd.s32 $0xFFFFFE00  }
.LBB2_1:
0x1c: {  	[dreg:$0x7] =	wrdreg s4  }
0x1d: {  	s0 =	rddreg [dreg:$0x4]  }
0x1e: {  	[tilespmem:s3], [sflag:$0x5] =	stream.linear.gather [hbm4b:s0+s3], $0x400, $0x38;
	[tilespmem:$0x10600] =	vst v63  }
0x1f: {  	_ =	swait.ge [sflag:s2], $0x400  }
0x20: {  	[sflag:s2] =	ssyncset.done $0x0  }
0x21: {  	[sflag:s2] =	ssyncadd.s32 $0xFFFFFC00  }
0x22: {  	v7 =	vld [tilespmem:$0x0];
	_ =	sdelay $0x4  }
0x23: {  	v8 =	vshll.u32 v7, $0x1  }
0x24: {  	v7 =	vand.u32 $0x7, v7;
	v8 =	vand.u32 $0xFFFFFFF0, v8  }
0x25: {  	v7 =	vor.u32 v7, v8  }
0x26: {  	v8 =	vperm.xlane v7, v1;
	_ =	sdelay $0x1  }
0x27: {  	v7 =	vperm.xlane v7, v4;
	v8 =	vadd.s32 v3, v8;
	_ =	sdelay $0x1  }
0x28: {  	v7 =	vadd.s32 v3, v7;
	_ =	sdelay $0x2  }
0x29: {  	[tilespmem:s8], [sflag:$0x1] =	stream.indirect_vreg.gather [hbm4b:s1+s3], $0x80, v8, vm0, $0xb8;
	[tilespmem:$0x10600] =	vst v63  }
0x2a: {  	_ = 	snop  }
0x2b: {  	[tilespmem:s9], [sflag:$0x1] =	stream.indirect_vreg.gather [hbm4b:s1+s3], $0x80, v7, vm0, $0xb8;
	[tilespmem:$0x10600] =	vst v63  }
0x2c: {  	v7 =	vld [tilespmem:$0x10];
	_ =	sdelay $0x4  }
0x2d: {  	v8 =	vshll.u32 v7, $0x1  }
0x2e: {  	v7 =	vand.u32 $0x7, v7;
	v8 =	vand.u32 $0xFFFFFFF0, v8  }
0x2f: {  	v7 =	vor.u32 v7, v8  }
0x30: {  	v8 =	vperm.xlane v7, v1;
	_ =	sdelay $0x1  }
0x31: {  	v7 =	vperm.xlane v7, v4;
	v8 =	vadd.s32 v3, v8;
	_ =	sdelay $0x1  }
0x32: {  	v7 =	vadd.s32 v3, v7;
	_ =	sdelay $0x2  }
0x33: {  	[tilespmem:s10], [sflag:$0x1] =	stream.indirect_vreg.gather [hbm4b:s1+s3], $0x80, v8, vm0, $0xb8;
	[tilespmem:$0x10600] =	vst v63  }
0x34: {  	_ = 	snop  }
0x35: {  	[tilespmem:s11], [sflag:$0x1] =	stream.indirect_vreg.gather [hbm4b:s1+s3], $0x80, v7, vm0, $0xb8;
	[tilespmem:$0x10600] =	vst v63  }
0x36: {  	v7 =	vld [tilespmem:$0x20];
	_ =	sdelay $0x4  }
0x37: {  	v8 =	vshll.u32 v7, $0x1  }
0x38: {  	v7 =	vand.u32 $0x7, v7;
	v8 =	vand.u32 $0xFFFFFFF0, v8  }
0x39: {  	v7 =	vor.u32 v7, v8  }
0x3a: {  	v8 =	vperm.xlane v7, v1;
	_ =	sdelay $0x1  }
0x3b: {  	v7 =	vperm.xlane v7, v4;
	v8 =	vadd.s32 v3, v8;
	_ =	sdelay $0x1  }
0x3c: {  	v7 =	vadd.s32 v3, v7;
	_ =	sdelay $0x2  }
0x3d: {  	[tilespmem:s12], [sflag:$0x1] =	stream.indirect_vreg.gather [hbm4b:s1+s3], $0x80, v8, vm0, $0xb8;
	[tilespmem:$0x10600] =	vst v63  }
0x3e: {  	_ = 	snop  }
0x3f: {  	[tilespmem:s13], [sflag:$0x1] =	stream.indirect_vreg.gather [hbm4b:s1+s3], $0x80, v7, vm0, $0xb8;
	[tilespmem:$0x10600] =	vst v63  }
0x40: {  	v7 =	vld [tilespmem:$0x30];
	_ =	sdelay $0x4  }
0x41: {  	v8 =	vshll.u32 v7, $0x1  }
0x42: {  	v7 =	vand.u32 $0x7, v7;
	v8 =	vand.u32 $0xFFFFFFF0, v8  }
0x43: {  	v7 =	vor.u32 v7, v8  }
0x44: {  	v8 =	vperm.xlane v7, v1;
	_ =	sdelay $0x1  }
0x45: {  	v7 =	vperm.xlane v7, v4;
	v8 =	vadd.s32 v3, v8;
	_ =	sdelay $0x1  }
0x46: {  	v7 =	vadd.s32 v3, v7;
	_ =	sdelay $0x2  }
0x47: {  	[tilespmem:s14], [sflag:$0x1] =	stream.indirect_vreg.gather [hbm4b:s1+s3], $0x80, v8, vm0, $0xb8;
	[tilespmem:$0x10600] =	vst v63  }
0x48: {  	_ = 	snop  }
0x49: {  	[tilespmem:s15], [sflag:$0x1] =	stream.indirect_vreg.gather [hbm4b:s1+s3], $0x80, v7, vm0, $0xb8;
	[tilespmem:$0x10600] =	vst v63  }
0x4a: {  	v7 =	vld [tilespmem:$0x80];
	_ =	sdelay $0x4  }
0x4b: {  	v8 =	vshll.u32 v7, $0x1  }
0x4c: {  	v7 =	vand.u32 $0x7, v7;
	v8 =	vand.u32 $0xFFFFFFF0, v8  }
0x4d: {  	v7 =	vor.u32 v7, v8  }
0x4e: {  	v8 =	vperm.xlane v7, v1;
	_ =	sdelay $0x1  }
0x4f: {  	v7 =	vperm.xlane v7, v4;
	v8 =	vadd.s32 v3, v8;
	_ =	sdelay $0x1  }
0x50: {  	v7 =	vadd.s32 v3, v7;
	_ =	sdelay $0x2  }
0x51: {  	[tilespmem:s16], [sflag:$0x2] =	stream.indirect_vreg.gather [hbm4b:s1+s3], $0x80, v8, vm0, $0xb8;
	[tilespmem:$0x10600] =	vst v63  }
0x52: {  	_ = 	snop  }
0x53: {  	[tilespmem:s17], [sflag:$0x2] =	stream.indirect_vreg.gather [hbm4b:s1+s3], $0x80, v7, vm0, $0xb8;
	[tilespmem:$0x10600] =	vst v63  }
0x54: {  	v7 =	vld [tilespmem:$0x90];
	_ =	sdelay $0x4  }
0x55: {  	v8 =	vshll.u32 v7, $0x1  }
0x56: {  	v7 =	vand.u32 $0x7, v7;
	v8 =	vand.u32 $0xFFFFFFF0, v8  }
0x57: {  	v7 =	vor.u32 v7, v8  }
0x58: {  	v8 =	vperm.xlane v7, v1;
	_ =	sdelay $0x1  }
0x59: {  	v7 =	vperm.xlane v7, v4;
	v8 =	vadd.s32 v3, v8;
	_ =	sdelay $0x1  }
0x5a: {  	v7 =	vadd.s32 v3, v7;
	_ =	sdelay $0x2  }
0x5b: {  	[tilespmem:s18], [sflag:$0x2] =	stream.indirect_vreg.gather [hbm4b:s1+s3], $0x80, v8, vm0, $0xb8;
	[tilespmem:$0x10600] =	vst v63  }
0x5c: {  	_ = 	snop  }
0x5d: {  	[tilespmem:s19], [sflag:$0x2] =	stream.indirect_vreg.gather [hbm4b:s1+s3], $0x80, v7, vm0, $0xb8;
	[tilespmem:$0x10600] =	vst v63  }
0x5e: {  	v7 =	vld [tilespmem:$0xA0];
	_ =	sdelay $0x4  }
0x5f: {  	v8 =	vshll.u32 v7, $0x1  }
0x60: {  	v7 =	vand.u32 $0x7, v7;
	v8 =	vand.u32 $0xFFFFFFF0, v8  }
0x61: {  	v7 =	vor.u32 v7, v8  }
0x62: {  	v8 =	vperm.xlane v7, v1;
	_ =	sdelay $0x1  }
0x63: {  	v7 =	vperm.xlane v7, v4;
	v8 =	vadd.s32 v3, v8;
	_ =	sdelay $0x1  }
0x64: {  	v7 =	vadd.s32 v3, v7;
	_ =	sdelay $0x2  }
0x65: {  	[tilespmem:s20], [sflag:$0x2] =	stream.indirect_vreg.gather [hbm4b:s1+s3], $0x80, v8, vm0, $0xb8;
	[tilespmem:$0x10600] =	vst v63  }
0x66: {  	_ = 	snop  }
0x67: {  	[tilespmem:s21], [sflag:$0x2] =	stream.indirect_vreg.gather [hbm4b:s1+s3], $0x80, v7, vm0, $0xb8;
	[tilespmem:$0x10600] =	vst v63  }
0x68: {  	v7 =	vld [tilespmem:$0xB0];
	_ =	sdelay $0x4  }
0x69: {  	v8 =	vshll.u32 v7, $0x1  }
0x6a: {  	v7 =	vand.u32 $0x7, v7;
	v8 =	vand.u32 $0xFFFFFFF0, v8  }
0x6b: {  	v7 =	vor.u32 v7, v8  }
0x6c: {  	v8 =	vperm.xlane v7, v1;
	_ =	sdelay $0x1  }
0x6d: {  	v7 =	vperm.xlane v7, v4;
	v8 =	vadd.s32 v3, v8;
	_ =	sdelay $0x1  }
0x6e: {  	v7 =	vadd.s32 v3, v7;
	_ =	sdelay $0x2  }
0x6f: {  	[tilespmem:s22], [sflag:$0x2] =	stream.indirect_vreg.gather [hbm4b:s1+s3], $0x80, v8, vm0, $0xb8;
	[tilespmem:$0x10600] =	vst v63  }
0x70: {  	_ = 	snop  }
0x71: {  	[tilespmem:s23], [sflag:$0x2] =	stream.indirect_vreg.gather [hbm4b:s1+s3], $0x80, v7, vm0, $0xb8;
	[tilespmem:$0x10600] =	vst v63  }
0x72: {  	v7 =	vld [tilespmem:$0x40];
	_ =	sdelay $0x4  }
0x73: {  	v8 =	vshll.u32 v7, $0x1  }
0x74: {  	v7 =	vand.u32 $0x7, v7;
	v8 =	vand.u32 $0xFFFFFFF0, v8  }
0x75: {  	v7 =	vor.u32 v7, v8  }
0x76: {  	v8 =	vperm.xlane v7, v1;
	_ =	sdelay $0x1  }
0x77: {  	v7 =	vperm.xlane v7, v4;
	v8 =	vadd.s32 v3, v8;
	_ =	sdelay $0x1  }
0x78: {  	v7 =	vadd.s32 v3, v7;
	_ =	sdelay $0x1  }
0x79: {  	s24 =	simm.s32 $0x4400  }
0x7a: {  	[tilespmem:s24], [sflag:$0x3] =	stream.indirect_vreg.gather [hbm4b:s1+s3], $0x80, v8, vm0, $0xb8;
	[tilespmem:$0x10600] =	vst v63  }
0x7b: {  	s25 =	simm.s32 $0x4C00  }
0x7c: {  	[tilespmem:s25], [sflag:$0x3] =	stream.indirect_vreg.gather [hbm4b:s1+s3], $0x80, v7, vm0, $0xb8;
	[tilespmem:$0x10600] =	vst v63  }
0x7d: {  	v7 =	vld [tilespmem:$0x50];
	_ =	sdelay $0x4  }
0x7e: {  	v8 =	vshll.u32 v7, $0x1  }
0x7f: {  	v7 =	vand.u32 $0x7, v7;
	v8 =	vand.u32 $0xFFFFFFF0, v8  }
0x80: {  	v7 =	vor.u32 v7, v8  }
0x81: {  	v8 =	vperm.xlane v7, v1;
	_ =	sdelay $0x1  }
0x82: {  	v7 =	vperm.xlane v7, v4;
	v8 =	vadd.s32 v3, v8;
	_ =	sdelay $0x1  }
0x83: {  	v7 =	vadd.s32 v3, v7;
	_ =	sdelay $0x1  }
0x84: {  	s29 =	simm.s32 $0x5400  }
0x85: {  	[tilespmem:s29], [sflag:$0x3] =	stream.indirect_vreg.gather [hbm4b:s1+s3], $0x80, v8, vm0, $0xb8;
	[tilespmem:$0x10600] =	vst v63  }
0x86: {  	s30 =	simm.s32 $0x5C00  }
0x87: {  	[tilespmem:s30], [sflag:$0x3] =	stream.indirect_vreg.gather [hbm4b:s1+s3], $0x80, v7, vm0, $0xb8;
	[tilespmem:$0x10600] =	vst v63  }
0x88: {  	v7 =	vld [tilespmem:$0x60];
	_ =	sdelay $0x4  }
0x89: {  	v8 =	vshll.u32 v7, $0x1  }
0x8a: {  	v7 =	vand.u32 $0x7, v7;
	v8 =	vand.u32 $0xFFFFFFF0, v8  }
0x8b: {  	v7 =	vor.u32 v7, v8  }
0x8c: {  	v8 =	vperm.xlane v7, v1;
	_ =	sdelay $0x1  }
0x8d: {  	v7 =	vperm.xlane v7, v4;
	v8 =	vadd.s32 v3, v8;
	_ =	sdelay $0x1  }
0x8e: {  	v7 =	vadd.s32 v3, v7;
	_ =	sdelay $0x1  }
0x8f: {  	s31 =	simm.s32 $0x6400  }
0x90: {  	[tilespmem:s31], [sflag:$0x3] =	stream.indirect_vreg.gather [hbm4b:s1+s3], $0x80, v8, vm0, $0xb8;
	[tilespmem:$0x10600] =	vst v63  }
0x91: {  	s2 =	simm.s32 $0x6C00  }
0x92: {  	[tilespmem:s2], [sflag:$0x3] =	stream.indirect_vreg.gather [hbm4b:s1+s3], $0x80, v7, vm0, $0xb8;
	[tilespmem:$0x10600] =	vst v63  }
0x93: {  	v7 =	vld [tilespmem:$0x70];
	_ =	sdelay $0x4  }
0x94: {  	v8 =	vshll.u32 v7, $0x1  }
0x95: {  	v7 =	vand.u32 $0x7, v7;
	v8 =	vand.u32 $0xFFFFFFF0, v8  }
0x96: {  	v7 =	vor.u32 v7, v8  }
0x97: {  	v8 =	vperm.xlane v7, v1;
	_ =	sdelay $0x1  }
0x98: {  	v7 =	vperm.xlane v7, v4;
	v8 =	vadd.s32 v3, v8;
	_ =	sdelay $0x1  }
0x99: {  	v7 =	vadd.s32 v3, v7;
	_ =	sdelay $0x1  }
0x9a: {  	s4 =	simm.s32 $0x7400  }
0x9b: {  	[tilespmem:s4], [sflag:$0x3] =	stream.indirect_vreg.gather [hbm4b:s1+s3], $0x80, v8, vm0, $0xb8;
	[tilespmem:$0x10600] =	vst v63  }
0x9c: {  	s5 =	simm.s32 $0x7C00  }
0x9d: {  	[tilespmem:s5], [sflag:$0x3] =	stream.indirect_vreg.gather [hbm4b:s1+s3], $0x80, v7, vm0, $0xb8;
	[tilespmem:$0x10600] =	vst v63  }
0x9e: {  	v7 =	vld [tilespmem:$0xC0];
	_ =	sdelay $0x4  }
0x9f: {  	v8 =	vshll.u32 v7, $0x1  }
0xa0: {  	v7 =	vand.u32 $0x7, v7;
	v8 =	vand.u32 $0xFFFFFFF0, v8  }
0xa1: {  	v7 =	vor.u32 v7, v8  }
0xa2: {  	v8 =	vperm.xlane v7, v1;
	_ =	sdelay $0x1  }
0xa3: {  	v7 =	vperm.xlane v7, v4;
	v8 =	vadd.s32 v3, v8;
	_ =	sdelay $0x1  }
0xa4: {  	v7 =	vadd.s32 v3, v7;
	_ =	sdelay $0x1  }
0xa5: {  	s6 =	simm.s32 $0xC400  }
0xa6: {  	[tilespmem:s6], [sflag:$0x4] =	stream.indirect_vreg.gather [hbm4b:s1+s3], $0x80, v8, vm0, $0xb8;
	[tilespmem:$0x10600] =	vst v63  }
0xa7: {  	s7 =	simm.s32 $0xCC00  }
0xa8: {  	[tilespmem:s7], [sflag:$0x4] =	stream.indirect_vreg.gather [hbm4b:s1+s3], $0x80, v7, vm0, $0xb8;
	[tilespmem:$0x10600] =	vst v63  }
0xa9: {  	v7 =	vld [tilespmem:$0xD0];
	_ =	sdelay $0x4  }
0xaa: {  	v8 =	vshll.u32 v7, $0x1  }
0xab: {  	v7 =	vand.u32 $0x7, v7;
	v8 =	vand.u32 $0xFFFFFFF0, v8  }
0xac: {  	v7 =	vor.u32 v7, v8  }
0xad: {  	v8 =	vperm.xlane v7, v1;
	_ =	sdelay $0x1  }
0xae: {  	v7 =	vperm.xlane v7, v4;
	v8 =	vadd.s32 v3, v8;
	_ =	sdelay $0x1  }
0xaf: {  	v7 =	vadd.s32 v3, v7;
	_ =	sdelay $0x1  }
0xb0: {  	s24 =	simm.s32 $0xD400  }
0xb1: {  	[tilespmem:s24], [sflag:$0x4] =	stream.indirect_vreg.gather [hbm4b:s1+s3], $0x80, v8, vm0, $0xb8;
	[tilespmem:$0x10600] =	vst v63  }
0xb2: {  	s25 =	simm.s32 $0xDC00  }
0xb3: {  	[tilespmem:s25], [sflag:$0x4] =	stream.indirect_vreg.gather [hbm4b:s1+s3], $0x80, v7, vm0, $0xb8;
	[tilespmem:$0x10600] =	vst v63  }
0xb4: {  	v7 =	vld [tilespmem:$0xE0];
	_ =	sdelay $0x4  }
0xb5: {  	v8 =	vshll.u32 v7, $0x1  }
0xb6: {  	v7 =	vand.u32 $0x7, v7;
	v8 =	vand.u32 $0xFFFFFFF0, v8  }
0xb7: {  	v7 =	vor.u32 v7, v8  }
0xb8: {  	v8 =	vperm.xlane v7, v1;
	_ =	sdelay $0x1  }
0xb9: {  	v7 =	vperm.xlane v7, v4;
	v8 =	vadd.s32 v3, v8;
	_ =	sdelay $0x1  }
0xba: {  	v7 =	vadd.s32 v3, v7;
	_ =	sdelay $0x1  }
0xbb: {  	s29 =	simm.s32 $0xE400  }
0xbc: {  	[tilespmem:s29], [sflag:$0x4] =	stream.indirect_vreg.gather [hbm4b:s1+s3], $0x80, v8, vm0, $0xb8;
	[tilespmem:$0x10600] =	vst v63  }
0xbd: {  	s30 =	simm.s32 $0xEC00  }
0xbe: {  	[tilespmem:s30], [sflag:$0x4] =	stream.indirect_vreg.gather [hbm4b:s1+s3], $0x80, v7, vm0, $0xb8;
	[tilespmem:$0x10600] =	vst v63  }
0xbf: {  	v7 =	vld [tilespmem:$0xF0];
	_ =	sdelay $0x4  }
0xc0: {  	v8 =	vshll.u32 v7, $0x1  }
0xc1: {  	v7 =	vand.u32 $0x7, v7;
	v8 =	vand.u32 $0xFFFFFFF0, v8  }
0xc2: {  	v7 =	vor.u32 v7, v8  }
0xc3: {  	v8 =	vperm.xlane v7, v1;
	_ =	sdelay $0x1  }
0xc4: {  	v7 =	vperm.xlane v7, v4;
	v8 =	vadd.s32 v3, v8;
	_ =	sdelay $0x1  }
0xc5: {  	v7 =	vadd.s32 v3, v7  }
.Ltmp2:
0xc6: {  	_ = 	snop;
	(pc) =	sbr.rel .LBB2_2-.Ltmp2, $4  }
0xc7: {  	s31 =	simm.s32 $0xF400  }
0xc8: {  	[tilespmem:s31], [sflag:$0x4] =	stream.indirect_vreg.gather [hbm4b:s1+s3], $0x80, v8, vm0, $0xb8;
	[tilespmem:$0x10600] =	vst v63  }
0xc9: {  	s28 =	simm.s32 $0x0  }
0xca: {  	[tilespmem:s26], [sflag:$0x4] =	stream.indirect_vreg.gather [hbm4b:s1+s3], $0x80, v7, vm0, $0xb8;
	[tilespmem:$0x10600] =	vst v63  }
.LBB2_10:
0xcb: {  	s28 =	sadd.s32 $0x1, s28  }
0xcc: {  	p0 =	sne.s32 s28, $0x8  }
.Ltmp3:
0xcd: {  	_ = 	snop;
	(pc) =	sbr.rel @!p0 .LBB2_11-.Ltmp3, $1  }
0xce: {  	_ =	sdelay $0x3  }
.LBB2_2:
0xcf: {  	s29 =	sand.u32 $0x1, s28  }
0xd0: {  	p0 =	seq.s32 s29, $0x1  }
0xd1: {  	s0 =	simm.s32 @!p0 $0x1  }
0xd2: {  	_ =	swait.ge @!p0 [sflag:s0], $0x4000  }
0xd3: {  	[sflag:s0] =	ssyncset.done @!p0 $0x0  }
0xd4: {  	[sflag:s0] =	ssyncadd.s32 @!p0 $0xFFFFC000;
	s0 =	simm.s32 @!p0 $0x2  }
0xd5: {  	_ =	swait.ge @!p0 [sflag:s0], $0x4000  }
0xd6: {  	p1 =	seq.s32 s29, $0x0;
	[sflag:s0] =	ssyncset.done @!p0 $0x0  }
0xd7: {  	[sflag:s0] =	ssyncadd.s32 @!p0 $0xFFFFC000;
	s0 =	simm.s32 @!p1 $0x3  }
0xd8: {  	_ =	swait.ge @!p1 [sflag:s0], $0x4000  }
0xd9: {  	[sflag:s0] =	ssyncset.done @!p1 $0x0  }
0xda: {  	s2 =	sshll.u32 s28, $0x6;
	[sflag:s0] =	ssyncadd.s32 @!p1 $0xFFFFC000;
	s0 =	simm.s32 @!p1 $0x4  }
0xdb: {  	s2 =	sand.u32 $0x3FFFFFC0, s2;
	_ =	swait.ge @!p1 [sflag:s0], $0x4000  }
0xdc: {  	s2 =	sadd.s32 $0x10400, s2;
	[sflag:s0] =	ssyncset.done @!p1 $0x0  }
0xdd: {  	s31 =	simm.s32 $0x0;
	s30 =	sshll.u32 s29, $0x6;
	v7 =	vmov s2;
	[sflag:s0] =	ssyncadd.s32 @!p1 $0xFFFFC000  }
.LBB2_3:
0xde: {  	s0 =	sshll.u32 s31, $0x4  }
0xdf: {  	s2 =	sadd.s32 s30, s0  }
0xe0: {  	v8 =	vmov s2  }
0xe1: {  	v8 =	vshll.u32 v8, $0x8  }
0xe2: {  	v8 =	vor.u32 v5, v8  }
0xe3: {  	s25 =	simm.s32 $0x1;
	v8 =	vand.u32 $0x7FFFF800, v8  }
0xe4: {  	v9 =	vxor.u32 s25, v0;
	v10 =	vor.u32 v6, v8  }
0xe5: {  	v12 =	vor.u32 v10, v9  }
0xe6: {  	s5 =	simm.s32 $0x0;
	v11 =	vor.u32 v2, v8  }
0xe7: {  	v14 =	vxor.u32 s5, v0;
	v8 =	vor.u32 v11, v9  }
0xe8: {  	s6 =	simm.s32 $0x5;
	v15 =	vor.u32 v10, v14  }
0xe9: {  	v17 =	vxor.u32 s6, v0;
	v14 =	vor.u32 v11, v14  }
0xea: {  	v18 =	vor.u32 v10, v17;
	v16 =	vld.idx.msk [tilespmem:v12+s16+$0x0], $0xffff  }
0xeb: {  	s7 =	simm.s32 $0x4;
	v12 =	vld.idx.msk [tilespmem:v12+s8+$0x0], $0xffff  }
0xec: {  	s24 =	simm.s32 $0x3;
	v23 =	vxor.u32 s7, v0;
	v20 =	vld.idx.msk [tilespmem:v8+s16+$0x0], $0xffff  }
0xed: {  	v27 =	vxor.u32 s24, v0;
	v25 =	vor.u32 v10, v23;
	v24 =	vld.idx.msk [tilespmem:v15+s8+$0x0], $0xffff  }
0xee: {  	v29 =	vor.u32 v11, v27;
	v26 =	vld.idx.msk [tilespmem:v14+s16+$0x0], $0xffff  }
0xef: {  	v28 =	vld.idx.msk [tilespmem:v18+s8+$0x0], $0xffff  }
0xf0: {  	v31 =	vld.idx.msk [tilespmem:v14+s8+$0x0], $0xffff  }
0xf1: {  	v36 =	vor.u32 v11, v17;
	v17 =	vor.u32 v11, v23;
	v8 =	vld.idx.msk [tilespmem:v8+s8+$0x0], $0xffff  }
0xf2: {  	v33 =	vld.idx.msk [tilespmem:v25+s16+$0x0], $0xffff  }
0xf3: {  	v35 =	vld.idx.msk [tilespmem:v29+s16+$0x0], $0xffff  }
0xf4: {  	v37 =	vld.idx.msk [tilespmem:v25+s8+$0x0], $0xffff  }
0xf5: {  	s4 =	simm.s32 $0x6;
	v15 =	vld.idx.msk [tilespmem:v15+s16+$0x0], $0xffff  }
0xf6: {  	v9 =	vxor.u32 s4, v0;
	v43 =	vld.idx.msk [tilespmem:v17+s16+$0x0], $0xffff  }
0xf7: {  	v13 =	vor.u32 v10, v9;
	v18 =	vld.idx.msk [tilespmem:v18+s16+$0x0], $0xffff  }
0xf8: {  	v44 =	vld.idx.msk [tilespmem:v29+s8+$0x0], $0xffff  }
0xf9: {  	s4 =	simm.s32 $0x2;
	v9 =	vor.u32 v11, v9;
	v54 =	vld.idx.msk [tilespmem:v17+s8+$0x0], $0xffff  }
0xfa: {  	v19 =	vxor.u32 s4, v0;
	v56 =	vld.idx.msk [tilespmem:v36+s16+$0x0], $0xffff  }
0xfb: {  	v21 =	vor.u32 v10, v19;
	v36 =	vld.idx.msk [tilespmem:v36+s8+$0x0], $0xffff  }
0xfc: {  	v32 =	vor.u32 v11, v19;
	v22 =	vld.idx.msk [tilespmem:v13+s16+$0x0], $0xffff  }
0xfd: {  	v27 =	vor.u32 v10, v27;
	v14 =	vimm.f32 $0.0e+00;
	v13 =	vld.idx.msk [tilespmem:v13+s8+$0x0], $0xffff;
	v23 =	vsub.f32 v12, v16  }
0xfe: {  	v34 =	vld.idx.msk [tilespmem:v9+s16+$0x0], $0xffff;
	v25 =	vmin.f32 v24, $0.0e+00;
	v20 =	vsub.f32 v20, v8;
	v40 =	vmin.f32 v12, $0.0e+00  }
0xff: {  	v9 =	vld.idx.msk [tilespmem:v9+s8+$0x0], $0xffff;
	v41 =	vmin.f32 v16, $0.0e+00;
	v12 =	vmin.f32 v28, $0.0e+00;
	v26 =	vsub.f32 v26, v31  }
0x100: {  	s25 =	simm.s32 $0x7;
	v30 =	vld.idx.msk [tilespmem:v21+s8+$0x0], $0xffff;
	v31 =	vsub.f32 v37, v33;
	v53 =	vmin.f32 v15, $0.0e+00;
	v45 =	vsub.f32 v24, v15  }
0x101: {  	v39 =	vld.idx.msk [tilespmem:v32+s16+$0x0], $0xffff;
	v24 =	vxor.u32 s25, v0;
	v17 =	vmin.f32 v37, $0.0e+00;
	v58 =	vsub.f32 v35, v44  }
0x102: {  	v32 =	vld.idx.msk [tilespmem:v32+s8+$0x0], $0xffff;
	v15 =	vmin.f32 v18, $0.0e+00;
	v62 =	vsub.f32 v43, v54;
	v36 =	vsub.f32 v56, v36  }
0x103: {  	v55 =	vld.idx.msk [tilespmem:v27+s8+$0x0], $0xffff;
	v38 =	vsub.f32 v13, v22;
	v8 =	vmin.f32 v13, $0.0e+00;
	v40 =	vsub.f32 v14, v40  }
0x104: {  	v42 =	vld.idx.msk [tilespmem:v27+s16+$0x0], $0xffff;
	v34 =	vsub.f32 v34, v9;
	v9 =	vmin.f32 v22, $0.0e+00;
	v25 =	vsub.f32 v14, v25  }
0x105: {  	v57 =	vor.u32 v10, v24;
	v60 =	vor.u32 v11, v24;
	v19 =	vmin.f32 v30, $0.0e+00  }
0x106: {  	v13 =	vsub.f32 v23, v20;
	v16 =	vmax.f32 v20, $0.0e+00;
	v27 =	vmax.f32 v26, $0.0e+00  }
0x107: {  	v32 =	vsub.f32 v39, v32;
	v61 =	vmax.f32 v58, $0.0e+00;
	v45 =	vsub.f32 v45, v26  }
0x108: {  	v26 =	vmin.f32 v55, $0.0e+00;
	v35 =	vmax.f32 v62, $0.0e+00;
	v39 =	vsub.f32 v31, v62  }
0x109: {  	v23 =	vld.idx.msk [tilespmem:v21+s16+$0x0], $0xffff;
	v20 =	vmul.f32 v16, v16;
	v16 =	vmin.f32 v42, $0.0e+00;
	v22 =	vsub.f32 v38, v34  }
0x10a: {  	v25 =	vsub.f32 v25, v53;
	v40 =	vsub.f32 v40, v41;
	v59 =	vmul.f32 v27, v27  }
0x10b: {  	v27 =	vsub.f32 v28, v18;
	v42 =	vsub.f32 v55, v42;
	v13 =	vmax.f32 v13, $0.0e+00  }
0x10c: {  	v38 =	vmul.f32 v61, v61;
	v18 =	vmax.f32 v32, $0.0e+00;
	v13 =	vmul.f32 v13, v13  }
0x10d: {  	v29 =	vadd.f32 v20, v14;
	v20 =	vmax.f32 v34, $0.0e+00;
	v46 =	vadd.f32 v59, v14  }
0x10e: {  	v63 =	vmul.f32 v18, v18;
	v26 =	vsub.f32 v40, v26;
	v18 =	vld.idx.msk [tilespmem:v57+s16+$0x0], $0xffff;
	v30 =	vsub.f32 v30, v23  }
0x10f: {  	v37 =	vsub.f32 v42, v58;
	v21 =	vadd.f32 v13, v14;
	v24 =	vmin.f32 v23, $0.0e+00;
	v23 =	vld.idx.msk [tilespmem:v57+s8+$0x0], $0xffff  }
0x110: {  	v34 =	vld.idx.msk [tilespmem:v60+s16+$0x0], $0xffff;
	v13 =	vmin.f32 v33, $0.0e+00;
	v28 =	vsub.f32 v30, v32;
	v30 =	vmax.f32 v45, $0.0e+00  }
0x111: {  	s2 =	simm.s32 $0xF;
	v33 =	vld.idx.msk [tilespmem:v60+s8+$0x0], $0xffff;
	v32 =	vadd.f32 v63, v46;
	v31 =	vmul.f32 v30, v30;
	v30 =	vmax.f32 v36, $0.0e+00  }
.LBB2_4:
0x112: {  	s4 =	sadd.s32 $0xFFFFFFF9, s2;
	s5 =	sadd.s32 $0xFFFFFFFA, s2;
	s6 =	sadd.s32 $0xFFFFFFFB, s2;
	v19 =	vsub.f32 v25, v19;
	v25 =	vadd.f32 v38, v29;
	v29 =	vmax.f32 v39, $0.0e+00  }
0x113: {  	p1 =	sne.s32 s2, $0x7F;
	v27 =	vsub.f32 v27, v36;
	v38 =	vxor.u32 s4, v0;
	v39 =	vxor.u32 s5, v0;
	s4 =	smov.u32 s2;
	s2 =	sadd.s32 $0x8, s2  }
0x114: {  	v41 =	vmin.f32 v23, $0.0e+00;
	v36 =	vor.u32 v10, v38;
	v40 =	vor.u32 v10, v39;
	s5 =	sadd.s32 $0xFFFFFFFC, s4  }
0x115: {  	v35 =	vmul.f32 v35, v35;
	v38 =	vor.u32 v11, v38;
	v39 =	vor.u32 v11, v39;
	s7 =	sadd.s32 $0xFFFFFFFE, s4;
	s24 =	sadd.s32 $0xFFFFFFFF, s4  }
0x116: {  	v37 =	vmax.f32 v37, $0.0e+00;
	s25 =	sadd.s32 $0xFFFFFFFD, s4;
	v42 =	vxor.u32 s7, v0;
	v43 =	vxor.u32 s24, v0  }
0x117: {  	v46 =	vmax.f32 v27, $0.0e+00;
	v44 =	vor.u32 v10, v42;
	v45 =	vor.u32 v10, v43  }
0x118: {  	v37 =	vmul.f32 v37, v37;
	v47 =	vxor.u32 s5, v0;
	v48 =	vxor.u32 s25, v0  }
0x119: {  	v19 =	vsub.f32 v19, v24;
	v50 =	vor.u32 v10, v47;
	v27 =	vor.u32 v11, v42;
	v49 =	vld.idx.msk [tilespmem:v40+s16+$0x0], $0xffff  }
0x11a: {  	v33 =	vsub.f32 v34, v33;
	v42 =	vor.u32 v10, v48;
	v24 =	vld.idx.msk [tilespmem:v40+s8+$0x0], $0xffff;
	v40 =	vxor.u32 s6, v0  }
0x11b: {  	v32 =	vadd.f32 v35, v32;
	v47 =	vor.u32 v11, v47;
	v48 =	vor.u32 v11, v48;
	v34 =	vld.idx.msk [tilespmem:v39+s16+$0x0], $0xffff  }
0x11c: {  	v23 =	vsub.f32 v23, v18;
	v35 =	vor.u32 v11, v40;
	v40 =	vor.u32 v10, v40;
	v51 =	vld.idx.msk [tilespmem:v45+s16+$0x0], $0xffff  }
0x11d: {  	v28 =	vmax.f32 v28, $0.0e+00;
	v16 =	vsub.f32 v26, v16;
	v26 =	vmul.f32 v46, v46;
	v45 =	vld.idx.msk [tilespmem:v45+s8+$0x0], $0xffff  }
0x11e: {  	v22 =	vmax.f32 v22, $0.0e+00;
	v28 =	vmul.f32 v28, v28;
	v52 =	vmax.f32 v33, $0.0e+00;
	v46 =	vld.idx.msk [tilespmem:v36+s8+$0x0], $0xffff  }
0x11f: {  	v14 =	vadd.f32 v31, v14;
	v29 =	vmul.f32 v29, v29;
	v22 =	vmul.f32 v22, v22;
	v53 =	vld.idx.msk [tilespmem:v38+s16+$0x0], $0xffff  }
0x120: {  	v43 =	vor.u32 v11, v43;
	v21 =	vadd.f32 v37, v21;
	v31 =	vsub.f32 v24, v49;
	v54 =	vld.idx.msk [tilespmem:v44+s8+$0x0], $0xffff  }
0x121: {  	v14 =	vadd.f32 v28, v14;
	v28 =	vmul.f32 v30, v30;
	v23 =	vsub.f32 v23, v33;
	v37 =	vld.idx.msk [tilespmem:v40+s8+$0x0], $0xffff  }
0x122: {  	v12 =	vsub.f32 v16, v12;
	v21 =	vadd.f32 v26, v21;
	v16 =	vmul.f32 v52, v52;
	v30 =	vld.idx.msk [tilespmem:v38+s8+$0x0], $0xffff  }
0x123: {  	v20 =	vmul.f32 v20, v20;
	v17 =	vsub.f32 v19, v17;
	v19 =	vadd.f32 v28, v25;
	v26 =	vld.idx.msk [tilespmem:v39+s8+$0x0], $0xffff  }
0x124: {  	v14 =	vadd.f32 v29, v14;
	v33 =	vsub.f32 v45, v51;
	v25 =	vmin.f32 v46, $0.0e+00;
	v28 =	vld.idx.msk [tilespmem:v42+s16+$0x0], $0xffff  }
0x125: {  	v32 =	vadd.f32 v20, v32;
	v13 =	vsub.f32 v17, v13;
	v17 =	vmax.f32 v23, $0.0e+00;
	v29 =	vld.idx.msk [tilespmem:v43+s16+$0x0], $0xffff  }
0x126: {  	v15 =	vsub.f32 v12, v15;
	v23 =	vmin.f32 v49, $0.0e+00;
	v20 =	vmin.f32 v24, $0.0e+00;
	v24 =	vld.idx.msk [tilespmem:v47+s16+$0x0], $0xffff  }
0x127: {  	v39 =	vadd.f32 v16, v19;
	v16 =	vmul.f32 v17, v17;
	v12 =	vmin.f32 v54, $0.0e+00;
	v38 =	vld.idx.msk [tilespmem:v43+s8+$0x0], $0xffff  }
0x128: {  	v18 =	vmin.f32 v18, $0.0e+00;
	v15 =	vsub.f32 v15, v41;
	v13 =	vsub.f32 v13, v8;
	v17 =	vld.idx.msk [tilespmem:v42+s8+$0x0], $0xffff  }
0x129: {  	v14 =	vadd.f32 v22, v14;
	v8 =	vmin.f32 v45, $0.0e+00;
	v21 =	vadd.f32 v16, v21;
	v41 =	vld.idx.msk [tilespmem:v35+s16+$0x0], $0xffff  }
0x12a: {  	v13 =	vsub.f32 v13, v9;
	v16 =	vsub.f32 v34, v26;
	v26 =	vld.idx.msk [tilespmem:v50+s16+$0x0], $0xffff  }
0x12b: {  	v9 =	vsub.f32 v15, v18;
	v19 =	vmin.f32 v37, $0.0e+00;
	v34 =	vld.idx.msk [tilespmem:v36+s16+$0x0], $0xffff  }
0x12c: {  	v15 =	vsub.f32 v31, v16;
	v18 =	vld.idx.msk [tilespmem:v40+s16+$0x0], $0xffff  }
0x12d: {  	v31 =	vsub.f32 v9, v20;
	v9 =	vmin.f32 v51, $0.0e+00;
	v20 =	vsub.f32 v29, v38;
	v36 =	vld.idx.msk [tilespmem:v48+s16+$0x0], $0xffff  }
0x12e: {  	v25 =	vsub.f32 v13, v25;
	v30 =	vsub.f32 v53, v30;
	v13 =	vmax.f32 v15, $0.0e+00;
	v38 =	vld.idx.msk [tilespmem:v44+s16+$0x0], $0xffff  }
0x12f: {  	v15 =	vmax.f32 v16, $0.0e+00;
	v13 =	vmul.f32 v13, v13;
	v42 =	vsub.f32 v17, v28;
	v40 =	vld.idx.msk [tilespmem:v47+s8+$0x0], $0xffff  }
0x130: {  	v15 =	vmul.f32 v15, v15;
	v22 =	vsub.f32 v33, v20;
	v16 =	vmin.f32 v26, $0.0e+00;
	v35 =	vld.idx.msk [tilespmem:v35+s8+$0x0], $0xffff  }
0x131: {  	v21 =	vadd.f32 v13, v21;
	v13 =	vmin.f32 v28, $0.0e+00;
	v33 =	vmin.f32 v34, $0.0e+00;
	v43 =	vld.idx.msk [tilespmem:v48+s8+$0x0], $0xffff  }
0x132: {  	v20 =	vmax.f32 v20, $0.0e+00;
	v29 =	vadd.f32 v15, v39;
	v28 =	vsub.f32 v46, v34;
	v34 =	vld.idx.msk [tilespmem:v50+s8+$0x0], $0xffff  }
0x133: {  	v31 =	vsub.f32 v31, v23;
	v23 =	vxor.u32 s4, v0;
	v25 =	vsub.f32 v25, v33;
	v33 =	vld.idx.msk [tilespmem:v27+s16+$0x0], $0xffff  }
0x134: {  	v17 =	vmin.f32 v17, $0.0e+00;
	v44 =	vor.u32 v10, v23;
	v37 =	vsub.f32 v37, v18;
	v39 =	vld.idx.msk [tilespmem:v27+s8+$0x0], $0xffff  }
0x135: {  	v15 =	vmin.f32 v38, $0.0e+00;
	v27 =	vmax.f32 v30, $0.0e+00;
	v40 =	vsub.f32 v24, v40  }
0x136: {  	v45 =	vmul.f32 v27, v27;
	v35 =	vsub.f32 v41, v35;
	v41 =	vor.u32 v11, v23  }
0x137: {  	v24 =	vmin.f32 v18, $0.0e+00;
	v27 =	vsub.f32 v54, v38;
	v46 =	vmax.f32 v40, $0.0e+00  }
0x138: {  	v30 =	vsub.f32 v28, v30;
	v32 =	vadd.f32 v45, v32;
	v45 =	vmin.f32 v34, $0.0e+00  }
.Ltmp4:
0x139: {  	v18 =	vmax.f32 v35, $0.0e+00;
	v47 =	vsub.f32 v34, v26;
	v34 =	vsub.f32 v36, v43;
	v23 =	vld.idx.msk [tilespmem:v44+s8+$0x0], $0xffff;
	(pc) =	sbr.rel @p1 .LBB2_4-.Ltmp4, $4  }
0x13a: {  	v28 =	vsub.f32 v37, v35;
	v43 =	vmul.f32 v18, v18;
	v36 =	vsub.f32 v33, v39;
	v18 =	vld.idx.msk [tilespmem:v44+s16+$0x0], $0xffff  }
0x13b: {  	v38 =	vmul.f32 v46, v46;
	v26 =	vsub.f32 v31, v45;
	v35 =	vmax.f32 v34, $0.0e+00;
	v33 =	vld.idx.msk [tilespmem:v41+s8+$0x0], $0xffff  }
0x13c: {  	v30 =	vmax.f32 v30, $0.0e+00;
	v39 =	vsub.f32 v42, v34;
	v32 =	vadd.f32 v43, v32;
	v34 =	vld.idx.msk [tilespmem:v41+s16+$0x0], $0xffff  }
0x13d: {  	v31 =	vmul.f32 v30, v30;
	v37 =	vsub.f32 v47, v40;
	v30 =	vmax.f32 v36, $0.0e+00  }
0x13e: {  	v10 =	vadd.f32 v38, v29;
	v11 =	vsub.f32 v27, v36  }
0x13f: {  	v40 =	vmax.f32 v39, $0.0e+00;
	v41 =	vmul.f32 v35, v35;
	v28 =	vmax.f32 v28, $0.0e+00  }
0x140: {  	v22 =	vmax.f32 v22, $0.0e+00;
	v30 =	vmul.f32 v30, v30;
	v20 =	vmul.f32 v20, v20  }
0x141: {  	v42 =	vmax.f32 v37, $0.0e+00;
	v43 =	vsub.f32 v23, v18;
	v28 =	vmul.f32 v28, v28  }
0x142: {  	v14 =	vadd.f32 v31, v14;
	v27 =	vmul.f32 v40, v40;
	v33 =	vsub.f32 v34, v33  }
0x143: {  	v22 =	vmul.f32 v22, v22;
	v11 =	vmax.f32 v11, $0.0e+00;
	v35 =	vmul.f32 v42, v42  }
0x144: {  	v29 =	vadd.f32 v41, v32;
	v11 =	vmul.f32 v11, v11;
	v44 =	vsub.f32 v43, v33  }
0x145: {  	v14 =	vadd.f32 v28, v14;
	v21 =	vadd.f32 v35, v21;
	v34 =	vmax.f32 v33, $0.0e+00  }
0x146: {  	v10 =	vadd.f32 v30, v10;
	v45 =	vmul.f32 v34, v34;
	v46 =	vmax.f32 v44, $0.0e+00  }
0x147: {  	v14 =	vadd.f32 v27, v14;
	v11 =	vadd.f32 v11, v21;
	v47 =	vmul.f32 v46, v46  }
0x148: {  	v20 =	vadd.f32 v20, v29;
	v10 =	vadd.f32 v45, v10  }
0x149: {  	v14 =	vadd.f32 v22, v14;
	v11 =	vadd.f32 v47, v11  }
0x14a: {  	v10 =	vadd.f32 v10, v20  }
0x14b: {  	v11 =	vadd.f32 v11, v14  }
0x14c: {  	v48 =	vshra.s32 v10, $0x1  }
0x14d: {  	v20 =	vmul.f32 $5.000000000e-01, v10;
	v49 =	vshra.s32 v11, $0x1;
	v50 =	vmul.f32 $5.000000000e-01, v11  }
0x14e: {  	v14 =	vsub.s32 $0x5F3759DF, v48;
	v21 =	vsub.s32 $0x5F3759DF, v49  }
0x14f: {  	v51 =	vmul.f32 v14, v20;
	v52 =	vmul.f32 v21, v50;
	_ =	sdelay $0x1  }
0x150: {  	v27 =	vmul.f32 v14, v51;
	v28 =	vmul.f32 v21, v52;
	_ =	sdelay $0x1  }
0x151: {  	v27 =	vsub.f32 $1.500000000e+00, v27;
	v28 =	vsub.f32 $1.500000000e+00, v28;
	_ =	sdelay $0x1  }
0x152: {  	v14 =	vmul.f32 v14, v27;
	v21 =	vmul.f32 v21, v28;
	_ =	sdelay $0x1  }
0x153: {  	v27 =	vmul.f32 v14, v20;
	v28 =	vmul.f32 v21, v50;
	_ =	sdelay $0x1  }
0x154: {  	v27 =	vmul.f32 v27, v14;
	v28 =	vmul.f32 v28, v21;
	_ =	sdelay $0x1  }
0x155: {  	v27 =	vsub.f32 $1.500000000e+00, v27;
	v28 =	vsub.f32 $1.500000000e+00, v28  }
0x156: {  	v19 =	vsub.f32 v25, v19  }
0x157: {  	v14 =	vmul.f32 v27, v14;
	v21 =	vmul.f32 v28, v21  }
0x158: {  	v16 =	vsub.f32 v26, v16;
	v19 =	vsub.f32 v19, v24  }
0x159: {  	v20 =	vmul.f32 v14, v20;
	v22 =	vmul.f32 v21, v50  }
0x15a: {  	v12 =	vsub.f32 v16, v12;
	v53 =	vsub.f32 v19, v17  }
0x15b: {  	v54 =	vmul.f32 v20, v14;
	v55 =	vmul.f32 v22, v21  }
0x15c: {  	v12 =	vsub.f32 v12, v15;
	v13 =	vsub.f32 v53, v13  }
0x15d: {  	v58 =	vmin.f32 v23, $0.0e+00;
	v56 =	vsub.f32 $1.500000000e+00, v54;
	v57 =	vsub.f32 $1.500000000e+00, v55  }
0x15e: {  	v61 =	vmin.f32 v18, $0.0e+00;
	v12 =	vsub.f32 v12, v58  }
0x15f: {  	v8 =	vsub.f32 v13, v8;
	v59 =	vmul.f32 v56, v14;
	v60 =	vmul.f32 v57, v21  }
0x160: {  	v62 =	vsub.f32 v12, v61  }
0x161: {  	s31 =	sadd.s32 $0x1, s31;
	v8 =	vsub.f32 v8, v9;
	v10 =	vmul.f32 v59, v10;
	v11 =	vmul.f32 v60, v11  }
0x162: {  	p1 =	sne.s32 s31, $0x4  }
.Ltmp5:
0x163: {  	v8 =	vadd.f32 v62, v8;
	v63 =	vadd.f32 v11, v10;
	(pc) =	sbr.rel @p1 .LBB2_3-.Ltmp5, $3  }
0x164: {  	_ = 	snop  }
0x165: {  	v8 =	vadd.f32 v63, v8;
	_ =	sdelay $0x1  }
0x166: {  	[tilespmem:v7+s0+$0x0 ss:$0x1] =	vst.idx.msk $0xffff, v8  }
0x167: {  	p1 =	sgt.u32 s28, $0x5  }
0x168: {  	p2 =	sne.s32 @!p1 s29, $0x0  }
0x169: {  	p2 =	por p1, p2  }
.Ltmp6:
0x16a: {  	_ = 	snop;
	(pc) =	sbr.rel @p2 .LBB2_8-.Ltmp6, $3  }
0x16b: {  	_ =	sdelay $0x1  }
0x16c: {  	s0 =	sadd.s32 $0x2, s28  }
0x16d: {  	s0 =	sshll.u32 s0, $0x7  }
0x16e: {  	s2 =	sand.u32 $0x3FFFFF80, s0  }
0x16f: {  	v7 =	vld [tilespmem:s2+$0x0];
	_ =	sdelay $0x4  }
0x170: {  	v8 =	vshll.u32 v7, $0x1  }
0x171: {  	v7 =	vand.u32 $0x7, v7;
	v8 =	vand.u32 $0xFFFFFFF0, v8  }
0x172: {  	v7 =	vor.u32 v7, v8  }
0x173: {  	v8 =	vperm.xlane v7, v1;
	_ =	sdelay $0x1  }
0x174: {  	v7 =	vperm.xlane v7, v4;
	v8 =	vadd.s32 v3, v8;
	_ =	sdelay $0x1  }
0x175: {  	v7 =	vadd.s32 v3, v7;
	_ =	sdelay $0x2  }
0x176: {  	[tilespmem:s8], [sflag:$0x1] =	stream.indirect_vreg.gather [hbm4b:s1+s3], $0x80, v8, vm0, $0xb8;
	[tilespmem:$0x10600] =	vst v63  }
0x177: {  	_ = 	snop  }
0x178: {  	[tilespmem:s9], [sflag:$0x1] =	stream.indirect_vreg.gather [hbm4b:s1+s3], $0x80, v7, vm0, $0xb8;
	[tilespmem:$0x10600] =	vst v63  }
0x179: {  	v7 =	vld [tilespmem:s2+$0x10];
	_ =	sdelay $0x4  }
0x17a: {  	v8 =	vshll.u32 v7, $0x1  }
0x17b: {  	v7 =	vand.u32 $0x7, v7;
	v8 =	vand.u32 $0xFFFFFFF0, v8  }
0x17c: {  	v7 =	vor.u32 v7, v8  }
0x17d: {  	v8 =	vperm.xlane v7, v1;
	_ =	sdelay $0x1  }
0x17e: {  	v7 =	vperm.xlane v7, v4;
	v8 =	vadd.s32 v3, v8;
	_ =	sdelay $0x1  }
0x17f: {  	v7 =	vadd.s32 v3, v7;
	_ =	sdelay $0x2  }
0x180: {  	[tilespmem:s10], [sflag:$0x1] =	stream.indirect_vreg.gather [hbm4b:s1+s3], $0x80, v8, vm0, $0xb8;
	[tilespmem:$0x10600] =	vst v63  }
0x181: {  	_ = 	snop  }
0x182: {  	[tilespmem:s11], [sflag:$0x1] =	stream.indirect_vreg.gather [hbm4b:s1+s3], $0x80, v7, vm0, $0xb8;
	[tilespmem:$0x10600] =	vst v63  }
0x183: {  	v7 =	vld [tilespmem:s2+$0x20];
	_ =	sdelay $0x4  }
0x184: {  	v8 =	vshll.u32 v7, $0x1  }
0x185: {  	v7 =	vand.u32 $0x7, v7;
	v8 =	vand.u32 $0xFFFFFFF0, v8  }
0x186: {  	v7 =	vor.u32 v7, v8  }
0x187: {  	v8 =	vperm.xlane v7, v1;
	_ =	sdelay $0x1  }
0x188: {  	v7 =	vperm.xlane v7, v4;
	v8 =	vadd.s32 v3, v8;
	_ =	sdelay $0x1  }
0x189: {  	v7 =	vadd.s32 v3, v7;
	_ =	sdelay $0x2  }
0x18a: {  	[tilespmem:s12], [sflag:$0x1] =	stream.indirect_vreg.gather [hbm4b:s1+s3], $0x80, v8, vm0, $0xb8;
	[tilespmem:$0x10600] =	vst v63  }
0x18b: {  	_ = 	snop  }
0x18c: {  	[tilespmem:s13], [sflag:$0x1] =	stream.indirect_vreg.gather [hbm4b:s1+s3], $0x80, v7, vm0, $0xb8;
	[tilespmem:$0x10600] =	vst v63  }
0x18d: {  	v7 =	vld [tilespmem:s2+$0x30];
	_ =	sdelay $0x4  }
0x18e: {  	v8 =	vshll.u32 v7, $0x1  }
0x18f: {  	v7 =	vand.u32 $0x7, v7;
	v8 =	vand.u32 $0xFFFFFFF0, v8  }
0x190: {  	v7 =	vor.u32 v7, v8  }
0x191: {  	v8 =	vperm.xlane v7, v1;
	_ =	sdelay $0x1  }
0x192: {  	v7 =	vperm.xlane v7, v4;
	v8 =	vadd.s32 v3, v8;
	_ =	sdelay $0x1  }
0x193: {  	v7 =	vadd.s32 v3, v7;
	_ =	sdelay $0x2  }
0x194: {  	[tilespmem:s14], [sflag:$0x1] =	stream.indirect_vreg.gather [hbm4b:s1+s3], $0x80, v8, vm0, $0xb8;
	[tilespmem:$0x10600] =	vst v63  }
0x195: {  	_ = 	snop  }
0x196: {  	[tilespmem:s15], [sflag:$0x1] =	stream.indirect_vreg.gather [hbm4b:s1+s3], $0x80, v7, vm0, $0xb8;
	[tilespmem:$0x10600] =	vst v63  }
0x197: {  	v7 =	vld [tilespmem:s2+$0x80];
	_ =	sdelay $0x4  }
0x198: {  	v8 =	vshll.u32 v7, $0x1  }
0x199: {  	v7 =	vand.u32 $0x7, v7;
	v8 =	vand.u32 $0xFFFFFFF0, v8  }
0x19a: {  	v7 =	vor.u32 v7, v8  }
0x19b: {  	v8 =	vperm.xlane v7, v1;
	_ =	sdelay $0x1  }
0x19c: {  	v7 =	vperm.xlane v7, v4;
	v8 =	vadd.s32 v3, v8;
	_ =	sdelay $0x1  }
0x19d: {  	v7 =	vadd.s32 v3, v7;
	_ =	sdelay $0x2  }
0x19e: {  	[tilespmem:s16], [sflag:$0x2] =	stream.indirect_vreg.gather [hbm4b:s1+s3], $0x80, v8, vm0, $0xb8;
	[tilespmem:$0x10600] =	vst v63  }
0x19f: {  	_ = 	snop  }
0x1a0: {  	[tilespmem:s17], [sflag:$0x2] =	stream.indirect_vreg.gather [hbm4b:s1+s3], $0x80, v7, vm0, $0xb8;
	[tilespmem:$0x10600] =	vst v63  }
0x1a1: {  	v7 =	vld [tilespmem:s2+$0x90];
	_ =	sdelay $0x4  }
0x1a2: {  	v8 =	vshll.u32 v7, $0x1  }
0x1a3: {  	v7 =	vand.u32 $0x7, v7;
	v8 =	vand.u32 $0xFFFFFFF0, v8  }
0x1a4: {  	v7 =	vor.u32 v7, v8  }
0x1a5: {  	v8 =	vperm.xlane v7, v1;
	_ =	sdelay $0x1  }
0x1a6: {  	v7 =	vperm.xlane v7, v4;
	v8 =	vadd.s32 v3, v8;
	_ =	sdelay $0x1  }
0x1a7: {  	v7 =	vadd.s32 v3, v7;
	_ =	sdelay $0x2  }
0x1a8: {  	[tilespmem:s18], [sflag:$0x2] =	stream.indirect_vreg.gather [hbm4b:s1+s3], $0x80, v8, vm0, $0xb8;
	[tilespmem:$0x10600] =	vst v63  }
0x1a9: {  	_ = 	snop  }
0x1aa: {  	[tilespmem:s19], [sflag:$0x2] =	stream.indirect_vreg.gather [hbm4b:s1+s3], $0x80, v7, vm0, $0xb8;
	[tilespmem:$0x10600] =	vst v63  }
0x1ab: {  	v7 =	vld [tilespmem:s2+$0xA0];
	_ =	sdelay $0x4  }
0x1ac: {  	v8 =	vshll.u32 v7, $0x1  }
0x1ad: {  	v7 =	vand.u32 $0x7, v7;
	v8 =	vand.u32 $0xFFFFFFF0, v8  }
0x1ae: {  	v7 =	vor.u32 v7, v8  }
0x1af: {  	v8 =	vperm.xlane v7, v1;
	_ =	sdelay $0x1  }
0x1b0: {  	v7 =	vperm.xlane v7, v4;
	v8 =	vadd.s32 v3, v8;
	_ =	sdelay $0x1  }
0x1b1: {  	v7 =	vadd.s32 v3, v7;
	_ =	sdelay $0x2  }
0x1b2: {  	[tilespmem:s20], [sflag:$0x2] =	stream.indirect_vreg.gather [hbm4b:s1+s3], $0x80, v8, vm0, $0xb8;
	[tilespmem:$0x10600] =	vst v63  }
0x1b3: {  	_ = 	snop  }
0x1b4: {  	[tilespmem:s21], [sflag:$0x2] =	stream.indirect_vreg.gather [hbm4b:s1+s3], $0x80, v7, vm0, $0xb8;
	[tilespmem:$0x10600] =	vst v63  }
0x1b5: {  	v7 =	vld [tilespmem:s2+$0xB0];
	_ =	sdelay $0x4  }
0x1b6: {  	v8 =	vshll.u32 v7, $0x1  }
0x1b7: {  	v7 =	vand.u32 $0x7, v7;
	v8 =	vand.u32 $0xFFFFFFF0, v8  }
0x1b8: {  	v7 =	vor.u32 v7, v8  }
0x1b9: {  	v8 =	vperm.xlane v7, v1;
	_ =	sdelay $0x1  }
0x1ba: {  	v7 =	vperm.xlane v7, v4;
	v8 =	vadd.s32 v3, v8;
	_ =	sdelay $0x1  }
0x1bb: {  	v7 =	vadd.s32 v3, v7;
	_ =	sdelay $0x2  }
0x1bc: {  	[tilespmem:s22], [sflag:$0x2] =	stream.indirect_vreg.gather [hbm4b:s1+s3], $0x80, v8, vm0, $0xb8;
	[tilespmem:$0x10600] =	vst v63  }
0x1bd: {  	_ = 	snop  }
0x1be: {  	[tilespmem:s23], [sflag:$0x2] =	stream.indirect_vreg.gather [hbm4b:s1+s3], $0x80, v7, vm0, $0xb8;
	[tilespmem:$0x10600] =	vst v63  }
.LBB2_8:
0x1bf: {  	p0 =	por !p0, !p0  }
0x1c0: {  	p0 =	por p1, p0  }
.Ltmp7:
0x1c1: {  	_ = 	snop;
	(pc) =	sbr.rel @p0 .LBB2_10-.Ltmp7, $1  }
0x1c2: {  	_ =	sdelay $0x3  }
0x1c3: {  	s0 =	sand.u32 $0x700, s0  }
0x1c4: {  	v7 =	vld [tilespmem:s0+$0x40];
	_ =	sdelay $0x4  }
0x1c5: {  	v8 =	vshll.u32 v7, $0x1  }
0x1c6: {  	v7 =	vand.u32 $0x7, v7;
	v8 =	vand.u32 $0xFFFFFFF0, v8  }
0x1c7: {  	v7 =	vor.u32 v7, v8  }
0x1c8: {  	v8 =	vperm.xlane v7, v1;
	_ =	sdelay $0x1  }
0x1c9: {  	v7 =	vperm.xlane v7, v4;
	v8 =	vadd.s32 v3, v8;
	_ =	sdelay $0x1  }
0x1ca: {  	v7 =	vadd.s32 v3, v7;
	_ =	sdelay $0x1  }
0x1cb: {  	s2 =	simm.s32 $0x4400  }
0x1cc: {  	[tilespmem:s2], [sflag:$0x3] =	stream.indirect_vreg.gather [hbm4b:s1+s3], $0x80, v8, vm0, $0xb8;
	[tilespmem:$0x10600] =	vst v63  }
0x1cd: {  	s24 =	simm.s32 $0x4C00  }
0x1ce: {  	[tilespmem:s24], [sflag:$0x3] =	stream.indirect_vreg.gather [hbm4b:s1+s3], $0x80, v7, vm0, $0xb8;
	[tilespmem:$0x10600] =	vst v63  }
0x1cf: {  	v7 =	vld [tilespmem:s0+$0x50];
	_ =	sdelay $0x4  }
0x1d0: {  	v8 =	vshll.u32 v7, $0x1  }
0x1d1: {  	v7 =	vand.u32 $0x7, v7;
	v8 =	vand.u32 $0xFFFFFFF0, v8  }
0x1d2: {  	v7 =	vor.u32 v7, v8  }
0x1d3: {  	v8 =	vperm.xlane v7, v1;
	_ =	sdelay $0x1  }
0x1d4: {  	v7 =	vperm.xlane v7, v4;
	v8 =	vadd.s32 v3, v8;
	_ =	sdelay $0x1  }
0x1d5: {  	v7 =	vadd.s32 v3, v7;
	_ =	sdelay $0x1  }
0x1d6: {  	s25 =	simm.s32 $0x5400  }
0x1d7: {  	[tilespmem:s25], [sflag:$0x3] =	stream.indirect_vreg.gather [hbm4b:s1+s3], $0x80, v8, vm0, $0xb8;
	[tilespmem:$0x10600] =	vst v63  }
0x1d8: {  	s29 =	simm.s32 $0x5C00  }
0x1d9: {  	[tilespmem:s29], [sflag:$0x3] =	stream.indirect_vreg.gather [hbm4b:s1+s3], $0x80, v7, vm0, $0xb8;
	[tilespmem:$0x10600] =	vst v63  }
0x1da: {  	v7 =	vld [tilespmem:s0+$0x60];
	_ =	sdelay $0x4  }
0x1db: {  	v8 =	vshll.u32 v7, $0x1  }
0x1dc: {  	v7 =	vand.u32 $0x7, v7;
	v8 =	vand.u32 $0xFFFFFFF0, v8  }
0x1dd: {  	v7 =	vor.u32 v7, v8  }
0x1de: {  	v8 =	vperm.xlane v7, v1;
	_ =	sdelay $0x1  }
0x1df: {  	v7 =	vperm.xlane v7, v4;
	v8 =	vadd.s32 v3, v8;
	_ =	sdelay $0x1  }
0x1e0: {  	v7 =	vadd.s32 v3, v7;
	_ =	sdelay $0x1  }
0x1e1: {  	s30 =	simm.s32 $0x6400  }
0x1e2: {  	[tilespmem:s30], [sflag:$0x3] =	stream.indirect_vreg.gather [hbm4b:s1+s3], $0x80, v8, vm0, $0xb8;
	[tilespmem:$0x10600] =	vst v63  }
0x1e3: {  	s31 =	simm.s32 $0x6C00  }
0x1e4: {  	[tilespmem:s31], [sflag:$0x3] =	stream.indirect_vreg.gather [hbm4b:s1+s3], $0x80, v7, vm0, $0xb8;
	[tilespmem:$0x10600] =	vst v63  }
0x1e5: {  	v7 =	vld [tilespmem:s0+$0x70];
	_ =	sdelay $0x4  }
0x1e6: {  	v8 =	vshll.u32 v7, $0x1  }
0x1e7: {  	v7 =	vand.u32 $0x7, v7;
	v8 =	vand.u32 $0xFFFFFFF0, v8  }
0x1e8: {  	v7 =	vor.u32 v7, v8  }
0x1e9: {  	v8 =	vperm.xlane v7, v1;
	_ =	sdelay $0x1  }
0x1ea: {  	v7 =	vperm.xlane v7, v4;
	v8 =	vadd.s32 v3, v8;
	_ =	sdelay $0x1  }
0x1eb: {  	v7 =	vadd.s32 v3, v7;
	_ =	sdelay $0x1  }
0x1ec: {  	s4 =	simm.s32 $0x7400  }
0x1ed: {  	[tilespmem:s4], [sflag:$0x3] =	stream.indirect_vreg.gather [hbm4b:s1+s3], $0x80, v8, vm0, $0xb8;
	[tilespmem:$0x10600] =	vst v63  }
0x1ee: {  	s5 =	simm.s32 $0x7C00  }
0x1ef: {  	[tilespmem:s5], [sflag:$0x3] =	stream.indirect_vreg.gather [hbm4b:s1+s3], $0x80, v7, vm0, $0xb8;
	[tilespmem:$0x10600] =	vst v63  }
0x1f0: {  	v7 =	vld [tilespmem:s0+$0xC0];
	_ =	sdelay $0x4  }
0x1f1: {  	v8 =	vshll.u32 v7, $0x1  }
0x1f2: {  	v7 =	vand.u32 $0x7, v7;
	v8 =	vand.u32 $0xFFFFFFF0, v8  }
0x1f3: {  	v7 =	vor.u32 v7, v8  }
0x1f4: {  	v8 =	vperm.xlane v7, v1;
	_ =	sdelay $0x1  }
0x1f5: {  	v7 =	vperm.xlane v7, v4;
	v8 =	vadd.s32 v3, v8;
	_ =	sdelay $0x1  }
0x1f6: {  	v7 =	vadd.s32 v3, v7;
	_ =	sdelay $0x1  }
0x1f7: {  	s6 =	simm.s32 $0xC400  }
0x1f8: {  	[tilespmem:s6], [sflag:$0x4] =	stream.indirect_vreg.gather [hbm4b:s1+s3], $0x80, v8, vm0, $0xb8;
	[tilespmem:$0x10600] =	vst v63  }
0x1f9: {  	s7 =	simm.s32 $0xCC00  }
0x1fa: {  	[tilespmem:s7], [sflag:$0x4] =	stream.indirect_vreg.gather [hbm4b:s1+s3], $0x80, v7, vm0, $0xb8;
	[tilespmem:$0x10600] =	vst v63  }
0x1fb: {  	v7 =	vld [tilespmem:s0+$0xD0];
	_ =	sdelay $0x4  }
0x1fc: {  	v8 =	vshll.u32 v7, $0x1  }
0x1fd: {  	v7 =	vand.u32 $0x7, v7;
	v8 =	vand.u32 $0xFFFFFFF0, v8  }
0x1fe: {  	v7 =	vor.u32 v7, v8  }
0x1ff: {  	v8 =	vperm.xlane v7, v1;
	_ =	sdelay $0x1  }
0x200: {  	v7 =	vperm.xlane v7, v4;
	v8 =	vadd.s32 v3, v8;
	_ =	sdelay $0x1  }
0x201: {  	v7 =	vadd.s32 v3, v7;
	_ =	sdelay $0x1  }
0x202: {  	s24 =	simm.s32 $0xD400  }
0x203: {  	[tilespmem:s24], [sflag:$0x4] =	stream.indirect_vreg.gather [hbm4b:s1+s3], $0x80, v8, vm0, $0xb8;
	[tilespmem:$0x10600] =	vst v63  }
0x204: {  	s25 =	simm.s32 $0xDC00  }
0x205: {  	[tilespmem:s25], [sflag:$0x4] =	stream.indirect_vreg.gather [hbm4b:s1+s3], $0x80, v7, vm0, $0xb8;
	[tilespmem:$0x10600] =	vst v63  }
0x206: {  	v7 =	vld [tilespmem:s0+$0xE0];
	_ =	sdelay $0x4  }
0x207: {  	v8 =	vshll.u32 v7, $0x1  }
0x208: {  	v7 =	vand.u32 $0x7, v7;
	v8 =	vand.u32 $0xFFFFFFF0, v8  }
0x209: {  	v7 =	vor.u32 v7, v8  }
0x20a: {  	v8 =	vperm.xlane v7, v1;
	_ =	sdelay $0x1  }
0x20b: {  	v7 =	vperm.xlane v7, v4;
	v8 =	vadd.s32 v3, v8;
	_ =	sdelay $0x1  }
0x20c: {  	v7 =	vadd.s32 v3, v7;
	_ =	sdelay $0x1  }
0x20d: {  	s29 =	simm.s32 $0xE400  }
0x20e: {  	[tilespmem:s29], [sflag:$0x4] =	stream.indirect_vreg.gather [hbm4b:s1+s3], $0x80, v8, vm0, $0xb8;
	[tilespmem:$0x10600] =	vst v63  }
0x20f: {  	s30 =	simm.s32 $0xEC00  }
0x210: {  	[tilespmem:s30], [sflag:$0x4] =	stream.indirect_vreg.gather [hbm4b:s1+s3], $0x80, v7, vm0, $0xb8;
	[tilespmem:$0x10600] =	vst v63  }
0x211: {  	v7 =	vld [tilespmem:s0+$0xF0];
	_ =	sdelay $0x4  }
0x212: {  	v8 =	vshll.u32 v7, $0x1  }
0x213: {  	v7 =	vand.u32 $0x7, v7;
	v8 =	vand.u32 $0xFFFFFFF0, v8  }
0x214: {  	v7 =	vor.u32 v7, v8  }
0x215: {  	v8 =	vperm.xlane v7, v1;
	_ =	sdelay $0x1  }
0x216: {  	v7 =	vperm.xlane v7, v4;
	v8 =	vadd.s32 v3, v8;
	_ =	sdelay $0x1  }
0x217: {  	v7 =	vadd.s32 v3, v7  }
.Ltmp8:
0x218: {  	_ = 	snop;
	(pc) =	sbr.rel .LBB2_10-.Ltmp8, $4  }
0x219: {  	s31 =	simm.s32 $0xF400  }
0x21a: {  	[tilespmem:s31], [sflag:$0x4] =	stream.indirect_vreg.gather [hbm4b:s1+s3], $0x80, v8, vm0, $0xb8;
	[tilespmem:$0x10600] =	vst v63  }
0x21b: {  	_ = 	snop  }
0x21c: {  	[tilespmem:s26], [sflag:$0x4] =	stream.indirect_vreg.gather [hbm4b:s1+s3], $0x80, v7, vm0, $0xb8;
	[tilespmem:$0x10600] =	vst v63  }
.LBB2_12:
0x21d: {  	_ =	sfence.sel $0x180000  }
0x21e: {  	[bflag:$0x0] =	sbarrier.arrive $0xFFFF  }
0x21f: {  	_ =	strace $0x90000047  }
0x220: {  	s0 =	stileid.u32;
	[bflag:$0x2] =	sbarrier.arrive $0xFFFF  }
0x221: {  	p0 =	sne.s32 s0, $0x0;
	s0 =	rddreg [dreg:$0x3]  }
0x222: {  	s0 =	sadd.s32 @!p0 $0x100000, s0  }
0x223: {  	[sflag:s0] =	ssyncadd.tile.s32 @!p0 $0x1;
	_ =	shalt  }
.Lfunc_end2:
_tile_overlayer_lowered:
.L_overlay_start_2:
0x224: {  	(tag) =	ssettag $0x2  }
0x225: {  	s0 =	rddreg [dreg:$0x0];
	s2 =	stileid.u32  }
0x226: {  	s1 =	rddreg [dreg:$0x1];
	p0 =	sne.s32 s2, $0x0  }
0x227: {  	s3 =	rddreg [dreg:$0x2];
	[bflag:$0x3] =	sbarrier.arrive $0xFFFF;
	s2 =	simm.s32 @!p0 $0x1C05  }
0x228: {  	[timem:s3], [sflag:s2] =	dma.local @!p0 [hbm:s0], s1  }
0x229: {  	s0 =	simm.s32 @!p0 $0x5  }
0x22a: {  	_ =	swait.ge @!p0 [sflag:s0], s1  }
0x22b: {  	s1 =	ssub.s32 @!p0 $0x0, s1;
	[sflag:s0] =	ssyncset.done @!p0 $0x0  }
0x22c: {  	[sflag:s0] =	ssyncadd.s32 @!p0 s1  }
0x22d: {  	[bflag:$0x3] =	sbarrier.arrive $0xFFFF  }
0x22e: {  	_ =	shalt  }

</sc_bundles>
